<compile_context>
chip_gen: v7x
topology: tpu7x:2x2x1
jax: 0.10.2.dev20260603
libtpu: 0.0.44.dev20260713+nightly
codegen_flags: <defaults>
</compile_context>

<pallas_src>
import jax
import jax.numpy as jnp
from jax import lax
from jax.experimental import pallas as pl
from jax.experimental.pallas import tpu as pltpu
from jax.experimental.pallas import tpu_sc as plsc

B = 16384
N_FIELDS = 26
VOCAB = 100000
EMB_DIM = 32

NC = 2
NS = 16
NW = NC * NS
L = 16

F = N_FIELDS * EMB_DIM
FPW = F // NW
OP = 4096
NP = B // OP


def _emb_body(table_hbm, cat_hbm, out_hbm,
              rowv, idxv, outp0, outp1, semR, semO0, semO1):
    wid = lax.axis_index("s") * NC + lax.axis_index("c")
    f0 = wid * FPW
    outps = (outp0, outp1)
    semOs = (semO0, semO1)

    def make_row(first):
        def do_row(f, _):
            pltpu.make_async_copy(table_hbm.at[f], rowv, semR).wait()
            for p in range(NP):
                ob, so = outps[p % 2], semOs[p % 2]
                if not (first and p < 2):
                    pltpu.make_async_copy(
                        ob, out_hbm.at[f, pl.ds(p * OP, OP)], so).wait()

                @plsc.parallel_loop(0, OP // L, unroll=8)
                def gather16(j):
                    s = pl.ds(p * OP + j * L, L)
                    ob[pl.ds(j * L, L)] = plsc.load_gather(rowv, [idxv[s]])

                pltpu.async_copy(ob, out_hbm.at[f, pl.ds(p * OP, OP)], so)
            fn = jnp.minimum(f + 1, F - 1)
            pltpu.async_copy(table_hbm.at[fn], rowv, semR)
            return _

        return do_row

    iA = f0 // EMB_DIM
    iB = (f0 + FPW - 1) // EMB_DIM
    split = jnp.minimum((iA + 1) * EMB_DIM, f0 + FPW)

    pltpu.async_copy(table_hbm.at[f0], rowv, semR)
    pltpu.sync_copy(cat_hbm.at[iA], idxv)
    make_row(True)(f0, 0)
    lax.fori_loop(f0 + 1, split, make_row(False), 0)
    pltpu.sync_copy(cat_hbm.at[iB], idxv)
    lax.fori_loop(split, f0 + FPW, make_row(False), 0)

    pltpu.make_async_copy(table_hbm.at[f0], rowv, semR).wait()
    pltpu.make_async_copy(outp0, out_hbm.at[f0, pl.ds(0, OP)], semO0).wait()
    pltpu.make_async_copy(outp1, out_hbm.at[f0, pl.ds(OP, OP)], semO1).wait()


def kernel(continuous, categorical, emb_tables):
    table_t = jnp.swapaxes(emb_tables, 1, 2).reshape(F, VOCAB)
    cat_t = categorical.T
    mesh = plsc.VectorSubcoreMesh(core_axis_name="c", subcore_axis_name="s")
    out_t = pl.kernel(
        _emb_body,
        mesh=mesh,
        compiler_params=pltpu.CompilerParams(
            use_tc_tiling_on_sc=True, needs_layout_passes=False
        ),
        out_type=jax.ShapeDtypeStruct((F, B), jnp.float32),
        scratch_types=[
            pltpu.VMEM((VOCAB,), jnp.float32),
            pltpu.VMEM((B,), jnp.int32),
            pltpu.VMEM((OP,), jnp.float32),
            pltpu.VMEM((OP,), jnp.float32),
            pltpu.SemaphoreType.DMA,
            pltpu.SemaphoreType.DMA,
            pltpu.SemaphoreType.DMA,
        ],
    )(table_t, cat_t)
    return continuous, out_t.T

# --- scband reference (transcript-rebuilt; emitter-appended) ---
"""Pipeline reference for scband-mixed-embedding1d-layer-1726576854793 (READ-ONLY COPY).

The authoritative reference and input builder live on the scoring server;
editing this copy changes nothing except your own understanding.
"""

import jax, jax.numpy as jnp
import numpy as np

B = 16384
N_FIELDS = 26
VOCAB = 100000
EMB_DIM = 32
CONT_DIM = 13


def setup_inputs(seed: int = 0) -> dict:
    key = jax.random.key(seed)
    k1, k2, k3 = jax.random.split(key, 3)
    continuous = jax.random.normal(k1, (B, CONT_DIM), dtype=jnp.float32)
    categorical = jax.random.randint(k2, (B, N_FIELDS), 0, VOCAB, dtype=jnp.int32)
    # 26 embedding tables of shape [VOCAB, EMB_DIM], stacked.
    emb_tables = jax.random.normal(k3, (N_FIELDS, VOCAB, EMB_DIM), dtype=jnp.float32) * 0.01
    return {"continuous": continuous, "categorical": categorical, "emb_tables": emb_tables}


def reference(continuous, categorical, emb_tables):
    # All 26 categorical fields have cardinality 100000 > max_onehot_cardinality=4,
    # so every field goes through its own nn.Embedding lookup; binary/onehot branches are empty.
    # batch_norm_continuous_input=False, so continuous passes through unchanged.
    # embedding_dropout=0.0, so no dropout is applied.
    embeds = [jnp.take(emb_tables[i], categorical[:, i], axis=0) for i in range(N_FIELDS)]
    x_embed = jnp.concatenate(embeds, axis=1)  # [B, N_FIELDS * EMB_DIM]
    # Original returns OrderedDict(binary=None, categorical=None, _categorical_orig=None,
    # continuous=continuous_data, embedding=x_embed). None entries dropped here.
    return (continuous, x_embed)

if __name__ == "__main__":
    import jax
    _d = setup_inputs()
    print(jax.jit(kernel)(*tuple(_d.values())))

</pallas_src>

<mosaic_0001>
#map = affine_map<(d0, d1) -> (0, 0)>
module attributes {stable_mosaic.version = 14 : i64} {
  func.func @_emb_body(%arg0: i32, %arg1: i32, %arg2: memref<832x100000xf32, #tpu.memory_space<hbm>>, %arg3: memref<26x16384xi32, #tpu.memory_space<hbm>>, %arg4: memref<832x16384xf32, #tpu.memory_space<hbm>>, %arg5: memref<100000xf32, #tpu.memory_space<vmem>>, %arg6: memref<16384xi32, #tpu.memory_space<vmem>>, %arg7: memref<4096xf32, #tpu.memory_space<vmem>>, %arg8: memref<4096xf32, #tpu.memory_space<vmem>>, %arg9: memref<!tpu.dma_semaphore, #tpu.memory_space<semaphore_mem>>, %arg10: memref<!tpu.dma_semaphore, #tpu.memory_space<semaphore_mem>>, %arg11: memref<!tpu.dma_semaphore, #tpu.memory_space<semaphore_mem>>) attributes {dimension_semantics = [#tpu.dimension_semantics<core_parallel>, #tpu.dimension_semantics<subcore_parallel>], iteration_bounds = array<i64: 2, 16>, scalar_prefetch = 0 : i64, scratch_operands = 7 : i64, tpu.core_type = #tpu.core_type<sc_vector_subcore>, window_params = [{transform_indices = #map}, {transform_indices = #map}, {transform_indices = #map}]} {
    %mul3A = arith.constant 2 : i32
    %mul3A_0 = arith.muli %arg1, %mul3A : i32
    %add3A = arith.addi %mul3A_0, %arg0 : i32
    %mul3A_1 = arith.constant 26 : i32
    %mul3A_2 = arith.muli %add3A, %mul3A_1 : i32
    %jit3A = arith.constant 32 : i32
    %div3A = arith.divsi %mul3A_2, %jit3A : i32
    %sign3A = arith.constant 0 : i32
    %sign3A_3 = arith.cmpi sgt, %mul3A_2, %sign3A : i32
    %sign3A_4 = arith.extui %sign3A_3 : i1 to i32
    %sign3A_5 = arith.constant 0 : i32
    %sign3A_6 = arith.cmpi slt, %mul3A_2, %sign3A_5 : i32
    %sign3A_7 = arith.extui %sign3A_6 : i1 to i32
    %sign3A_8 = arith.subi %sign3A_4, %sign3A_7 : i32
    %sign3A_9 = arith.constant 0 : i32
    %sign3A_10 = arith.cmpi sgt, %jit3A, %sign3A_9 : i32
    %sign3A_11 = arith.extui %sign3A_10 : i1 to i32
    %sign3A_12 = arith.constant 0 : i32
    %sign3A_13 = arith.cmpi slt, %jit3A, %sign3A_12 : i32
    %sign3A_14 = arith.extui %sign3A_13 : i1 to i32
    %sign3A_15 = arith.subi %sign3A_11, %sign3A_14 : i32
    %ne3A = arith.cmpi ne, %sign3A_8, %sign3A_15 : i32
    %rem3A = arith.remsi %mul3A_2, %jit3A : i32
    %ne3A_16 = arith.constant 0 : i32
    %ne3A_17 = arith.cmpi ne, %rem3A, %ne3A_16 : i32
    %and3A = arith.andi %ne3A, %ne3A_17 : i1
    %sub3A = arith.constant 1 : i32
    %sub3A_18 = arith.subi %div3A, %sub3A : i32
    %select_n3A = arith.select %and3A, %sub3A_18, %div3A : i32
    %add3A_19 = arith.constant 26 : i32
    %add3A_20 = arith.addi %mul3A_2, %add3A_19 : i32
    %sub3A_21 = arith.constant 1 : i32
    %sub3A_22 = arith.subi %add3A_20, %sub3A_21 : i32
    %jit3A_23 = arith.constant 32 : i32
    %div3A_24 = arith.divsi %sub3A_22, %jit3A_23 : i32
    %sign3A_25 = arith.constant 0 : i32
    %sign3A_26 = arith.cmpi sgt, %sub3A_22, %sign3A_25 : i32
    %sign3A_27 = arith.extui %sign3A_26 : i1 to i32
    %sign3A_28 = arith.constant 0 : i32
    %sign3A_29 = arith.cmpi slt, %sub3A_22, %sign3A_28 : i32
    %sign3A_30 = arith.extui %sign3A_29 : i1 to i32
    %sign3A_31 = arith.subi %sign3A_27, %sign3A_30 : i32
    %sign3A_32 = arith.constant 0 : i32
    %sign3A_33 = arith.cmpi sgt, %jit3A_23, %sign3A_32 : i32
    %sign3A_34 = arith.extui %sign3A_33 : i1 to i32
    %sign3A_35 = arith.constant 0 : i32
    %sign3A_36 = arith.cmpi slt, %jit3A_23, %sign3A_35 : i32
    %sign3A_37 = arith.extui %sign3A_36 : i1 to i32
    %sign3A_38 = arith.subi %sign3A_34, %sign3A_37 : i32
    %ne3A_39 = arith.cmpi ne, %sign3A_31, %sign3A_38 : i32
    %rem3A_40 = arith.remsi %sub3A_22, %jit3A_23 : i32
    %ne3A_41 = arith.constant 0 : i32
    %ne3A_42 = arith.cmpi ne, %rem3A_40, %ne3A_41 : i32
    %and3A_43 = arith.andi %ne3A_39, %ne3A_42 : i1
    %sub3A_44 = arith.constant 1 : i32
    %sub3A_45 = arith.subi %div3A_24, %sub3A_44 : i32
    %select_n3A_46 = arith.select %and3A_43, %sub3A_45, %div3A_24 : i32
    %add3A_47 = arith.constant 1 : i32
    %add3A_48 = arith.addi %select_n3A, %add3A_47 : i32
    %mul3A_49 = arith.constant 32 : i32
    %mul3A_50 = arith.muli %add3A_48, %mul3A_49 : i32
    %add3A_51 = arith.constant 26 : i32
    %add3A_52 = arith.addi %mul3A_2, %add3A_51 : i32
    %min3A = arith.minsi %mul3A_50, %add3A_52 : i32
    %dma_start3A = arith.constant 0 : i32
    %dma_start3A_53 = tpu.memref_slice %arg2[%mul3A_2, %dma_start3A] : memref<832x100000xf32, #tpu.memory_space<hbm>> -> memref<1x100000xf32, #tpu.memory_space<hbm>>
    %dma_start3A_54 = tpu.memref_squeeze %dma_start3A_53 : memref<1x100000xf32, #tpu.memory_space<hbm>> -> memref<100000xf32, #tpu.memory_space<hbm>>
    %dma_start3A_55 = arith.constant 0 : i32
    %dma_start3A_56 = tpu.memref_slice %arg2[%mul3A_2, %dma_start3A_55] : memref<832x100000xf32, #tpu.memory_space<hbm>> -> memref<1x100000xf32, #tpu.memory_space<hbm>>
    %dma_start3A_57 = tpu.memref_squeeze %dma_start3A_56 : memref<1x100000xf32, #tpu.memory_space<hbm>> -> memref<100000xf32, #tpu.memory_space<hbm>>
    tpu.enqueue_dma source(%dma_start3A_57 : memref<100000xf32, #tpu.memory_space<hbm>>) target(%arg5 : memref<100000xf32, #tpu.memory_space<vmem>>) target_semaphore(%arg9 : memref<!tpu.dma_semaphore, #tpu.memory_space<semaphore_mem>>)
    "tpu.region"() ({
      %run_scoped3A = tpu.sem_alloc : memref<!tpu.dma_semaphore, #tpu.memory_space<semaphore_mem>>
      %dma_start3A_159 = arith.constant 0 : i32
      %dma_start3A_160 = tpu.memref_slice %arg3[%select_n3A, %dma_start3A_159] : memref<26x16384xi32, #tpu.memory_space<hbm>> -> memref<1x16384xi32, #tpu.memory_space<hbm>>
      %dma_start3A_161 = tpu.memref_squeeze %dma_start3A_160 : memref<1x16384xi32, #tpu.memory_space<hbm>> -> memref<16384xi32, #tpu.memory_space<hbm>>
      %dma_start3A_162 = arith.constant 0 : i32
      %dma_start3A_163 = tpu.memref_slice %arg3[%select_n3A, %dma_start3A_162] : memref<26x16384xi32, #tpu.memory_space<hbm>> -> memref<1x16384xi32, #tpu.memory_space<hbm>>
      %dma_start3A_164 = tpu.memref_squeeze %dma_start3A_163 : memref<1x16384xi32, #tpu.memory_space<hbm>> -> memref<16384xi32, #tpu.memory_space<hbm>>
      tpu.enqueue_dma source(%dma_start3A_164 : memref<16384xi32, #tpu.memory_space<hbm>>) target(%arg6 : memref<16384xi32, #tpu.memory_space<vmem>>) target_semaphore(%run_scoped3A : memref<!tpu.dma_semaphore, #tpu.memory_space<semaphore_mem>>)
      %dma_wait3A_165 = arith.constant 0 : i32
      %dma_wait3A_166 = tpu.memref_slice %arg3[%select_n3A, %dma_wait3A_165] : memref<26x16384xi32, #tpu.memory_space<hbm>> -> memref<1x16384xi32, #tpu.memory_space<hbm>>
      %dma_wait3A_167 = tpu.memref_squeeze %dma_wait3A_166 : memref<1x16384xi32, #tpu.memory_space<hbm>> -> memref<16384xi32, #tpu.memory_space<hbm>>
      %dma_wait3A_168 = arith.constant 0 : i32
      %dma_wait3A_169 = tpu.memref_slice %arg3[%select_n3A, %dma_wait3A_168] : memref<26x16384xi32, #tpu.memory_space<hbm>> -> memref<1x16384xi32, #tpu.memory_space<hbm>>
      %dma_wait3A_170 = tpu.memref_squeeze %dma_wait3A_169 : memref<1x16384xi32, #tpu.memory_space<hbm>> -> memref<16384xi32, #tpu.memory_space<hbm>>
      tpu.wait_dma2 semaphore(%run_scoped3A : memref<!tpu.dma_semaphore, #tpu.memory_space<semaphore_mem>>) src(%dma_wait3A_170 : memref<16384xi32, #tpu.memory_space<hbm>>) dst(%arg6 : memref<16384xi32, #tpu.memory_space<vmem>>)
      tpu.yield
    }) : () -> ()
    %dma_wait3A = arith.constant 0 : i32
    %dma_wait3A_58 = tpu.memref_slice %arg2[%mul3A_2, %dma_wait3A] : memref<832x100000xf32, #tpu.memory_space<hbm>> -> memref<1x100000xf32, #tpu.memory_space<hbm>>
    %dma_wait3A_59 = tpu.memref_squeeze %dma_wait3A_58 : memref<1x100000xf32, #tpu.memory_space<hbm>> -> memref<100000xf32, #tpu.memory_space<hbm>>
    %dma_wait3A_60 = arith.constant 0 : i32
    %dma_wait3A_61 = tpu.memref_slice %arg2[%mul3A_2, %dma_wait3A_60] : memref<832x100000xf32, #tpu.memory_space<hbm>> -> memref<1x100000xf32, #tpu.memory_space<hbm>>
    %dma_wait3A_62 = tpu.memref_squeeze %dma_wait3A_61 : memref<1x100000xf32, #tpu.memory_space<hbm>> -> memref<100000xf32, #tpu.memory_space<hbm>>
    tpu.wait_dma2 semaphore(%arg9 : memref<!tpu.dma_semaphore, #tpu.memory_space<semaphore_mem>>) src(%dma_wait3A_62 : memref<100000xf32, #tpu.memory_space<hbm>>) dst(%arg5 : memref<100000xf32, #tpu.memory_space<vmem>>)
    %parallel_loop3A = arith.constant 0 : i32
    %parallel_loop3A_63 = arith.constant 256 : i32
    %parallel_loop3A_64 = arith.constant 1 : i32
    scf.for %parallel_loop3A_159 = %parallel_loop3A to %parallel_loop3A_63 step %parallel_loop3A_64  : i32 {
      %parallel_loop3A_160 = arith.constant 16 : i32
      %parallel_loop3A_161 = arith.muli %parallel_loop3A_159, %parallel_loop3A_160 : i32
      %parallel_loop3A_162 = arith.constant 0 : i32
      %parallel_loop3A_163 = arith.addi %parallel_loop3A_162, %parallel_loop3A_161 : i32
      %parallel_loop3A_164 = arith.index_cast %parallel_loop3A_163 : i32 to index
      %parallel_loop3A_165 = tpu.vector_load %arg6[%parallel_loop3A_164] {strides = array<i32>} : memref<16384xi32, #tpu.memory_space<vmem>>, vector<16xi32>,
      %parallel_loop3A_166 = tpu.vector_load_idx %arg5[%parallel_loop3A_165] : memref<100000xf32, #tpu.memory_space<vmem>>[vector<16xi32>], vector<16xf32>,
      %parallel_loop3A_167 = arith.constant 16 : i32
      %parallel_loop3A_168 = arith.muli %parallel_loop3A_159, %parallel_loop3A_167 : i32
      %parallel_loop3A_169 = arith.index_cast %parallel_loop3A_168 : i32 to index
      %parallel_loop3A_170 = tpu.vector_load %arg7[%parallel_loop3A_169] {strides = array<i32>} : memref<4096xf32, #tpu.memory_space<vmem>>, vector<16xf32>,
      tpu.vector_store %arg7[%parallel_loop3A_169], %parallel_loop3A_166 {strides = array<i32>} : memref<4096xf32, #tpu.memory_space<vmem>>, vector<16xf32>,
    } {sc.loop_unroll_factor = 8 : i64, sc.parallel_access}
    %dma_start3A_65 = arith.constant 0 : i32
    %dma_start3A_66 = tpu.memref_slice %arg4[%mul3A_2, %dma_start3A_65] : memref<832x16384xf32, #tpu.memory_space<hbm>> -> memref<1x4096xf32, #tpu.memory_space<hbm>>
    %dma_start3A_67 = tpu.memref_squeeze %dma_start3A_66 : memref<1x4096xf32, #tpu.memory_space<hbm>> -> memref<4096xf32, #tpu.memory_space<hbm>>
    %dma_start3A_68 = arith.constant 0 : i32
    %dma_start3A_69 = tpu.memref_slice %arg4[%mul3A_2, %dma_start3A_68] : memref<832x16384xf32, #tpu.memory_space<hbm>> -> memref<1x4096xf32, #tpu.memory_space<hbm>>
    %dma_start3A_70 = tpu.memref_squeeze %dma_start3A_69 : memref<1x4096xf32, #tpu.memory_space<hbm>> -> memref<4096xf32, #tpu.memory_space<hbm>>
    tpu.enqueue_dma source(%arg7 : memref<4096xf32, #tpu.memory_space<vmem>>) target(%dma_start3A_70 : memref<4096xf32, #tpu.memory_space<hbm>>) target_semaphore(%arg10 : memref<!tpu.dma_semaphore, #tpu.memory_space<semaphore_mem>>)
    %parallel_loop3A_71 = arith.constant 0 : i32
    %parallel_loop3A_72 = arith.constant 256 : i32
    %parallel_loop3A_73 = arith.constant 1 : i32
    scf.for %parallel_loop3A_159 = %parallel_loop3A_71 to %parallel_loop3A_72 step %parallel_loop3A_73  : i32 {
      %parallel_loop3A_160 = arith.constant 16 : i32
      %parallel_loop3A_161 = arith.muli %parallel_loop3A_159, %parallel_loop3A_160 : i32
      %parallel_loop3A_162 = arith.constant 4096 : i32
      %parallel_loop3A_163 = arith.addi %parallel_loop3A_162, %parallel_loop3A_161 : i32
      %parallel_loop3A_164 = arith.index_cast %parallel_loop3A_163 : i32 to index
      %parallel_loop3A_165 = tpu.vector_load %arg6[%parallel_loop3A_164] {strides = array<i32>} : memref<16384xi32, #tpu.memory_space<vmem>>, vector<16xi32>,
      %parallel_loop3A_166 = tpu.vector_load_idx %arg5[%parallel_loop3A_165] : memref<100000xf32, #tpu.memory_space<vmem>>[vector<16xi32>], vector<16xf32>,
      %parallel_loop3A_167 = arith.constant 16 : i32
      %parallel_loop3A_168 = arith.muli %parallel_loop3A_159, %parallel_loop3A_167 : i32
      %parallel_loop3A_169 = arith.index_cast %parallel_loop3A_168 : i32 to index
      %parallel_loop3A_170 = tpu.vector_load %arg8[%parallel_loop3A_169] {strides = array<i32>} : memref<4096xf32, #tpu.memory_space<vmem>>, vector<16xf32>,
      tpu.vector_store %arg8[%parallel_loop3A_169], %parallel_loop3A_166 {strides = array<i32>} : memref<4096xf32, #tpu.memory_space<vmem>>, vector<16xf32>,
    } {sc.loop_unroll_factor = 8 : i64, sc.parallel_access}
    %dma_start3A_74 = arith.constant 4096 : i32
    %dma_start3A_75 = tpu.memref_slice %arg4[%mul3A_2, %dma_start3A_74] : memref<832x16384xf32, #tpu.memory_space<hbm>> -> memref<1x4096xf32, #tpu.memory_space<hbm>>
    %dma_start3A_76 = tpu.memref_squeeze %dma_start3A_75 : memref<1x4096xf32, #tpu.memory_space<hbm>> -> memref<4096xf32, #tpu.memory_space<hbm>>
    %dma_start3A_77 = arith.constant 4096 : i32
    %dma_start3A_78 = tpu.memref_slice %arg4[%mul3A_2, %dma_start3A_77] : memref<832x16384xf32, #tpu.memory_space<hbm>> -> memref<1x4096xf32, #tpu.memory_space<hbm>>
    %dma_start3A_79 = tpu.memref_squeeze %dma_start3A_78 : memref<1x4096xf32, #tpu.memory_space<hbm>> -> memref<4096xf32, #tpu.memory_space<hbm>>
    tpu.enqueue_dma source(%arg8 : memref<4096xf32, #tpu.memory_space<vmem>>) target(%dma_start3A_79 : memref<4096xf32, #tpu.memory_space<hbm>>) target_semaphore(%arg11 : memref<!tpu.dma_semaphore, #tpu.memory_space<semaphore_mem>>)
    %dma_wait3A_80 = arith.constant 8192 : i32
    %dma_wait3A_81 = tpu.memref_slice %arg4[%mul3A_2, %dma_wait3A_80] : memref<832x16384xf32, #tpu.memory_space<hbm>> -> memref<1x4096xf32, #tpu.memory_space<hbm>>
    %dma_wait3A_82 = tpu.memref_squeeze %dma_wait3A_81 : memref<1x4096xf32, #tpu.memory_space<hbm>> -> memref<4096xf32, #tpu.memory_space<hbm>>
    %dma_wait3A_83 = arith.constant 8192 : i32
    %dma_wait3A_84 = tpu.memref_slice %arg4[%mul3A_2, %dma_wait3A_83] : memref<832x16384xf32, #tpu.memory_space<hbm>> -> memref<1x4096xf32, #tpu.memory_space<hbm>>
    %dma_wait3A_85 = tpu.memref_squeeze %dma_wait3A_84 : memref<1x4096xf32, #tpu.memory_space<hbm>> -> memref<4096xf32, #tpu.memory_space<hbm>>
    tpu.wait_dma2 semaphore(%arg10 : memref<!tpu.dma_semaphore, #tpu.memory_space<semaphore_mem>>) src(%arg7 : memref<4096xf32, #tpu.memory_space<vmem>>) dst(%dma_wait3A_85 : memref<4096xf32, #tpu.memory_space<hbm>>)
    %parallel_loop3A_86 = arith.constant 0 : i32
    %parallel_loop3A_87 = arith.constant 256 : i32
    %parallel_loop3A_88 = arith.constant 1 : i32
    scf.for %parallel_loop3A_159 = %parallel_loop3A_86 to %parallel_loop3A_87 step %parallel_loop3A_88  : i32 {
      %parallel_loop3A_160 = arith.constant 16 : i32
      %parallel_loop3A_161 = arith.muli %parallel_loop3A_159, %parallel_loop3A_160 : i32
      %parallel_loop3A_162 = arith.constant 8192 : i32
      %parallel_loop3A_163 = arith.addi %parallel_loop3A_162, %parallel_loop3A_161 : i32
      %parallel_loop3A_164 = arith.index_cast %parallel_loop3A_163 : i32 to index
      %parallel_loop3A_165 = tpu.vector_load %arg6[%parallel_loop3A_164] {strides = array<i32>} : memref<16384xi32, #tpu.memory_space<vmem>>, vector<16xi32>,
      %parallel_loop3A_166 = tpu.vector_load_idx %arg5[%parallel_loop3A_165] : memref<100000xf32, #tpu.memory_space<vmem>>[vector<16xi32>], vector<16xf32>,
      %parallel_loop3A_167 = arith.constant 16 : i32
      %parallel_loop3A_168 = arith.muli %parallel_loop3A_159, %parallel_loop3A_167 : i32
      %parallel_loop3A_169 = arith.index_cast %parallel_loop3A_168 : i32 to index
      %parallel_loop3A_170 = tpu.vector_load %arg7[%parallel_loop3A_169] {strides = array<i32>} : memref<4096xf32, #tpu.memory_space<vmem>>, vector<16xf32>,
      tpu.vector_store %arg7[%parallel_loop3A_169], %parallel_loop3A_166 {strides = array<i32>} : memref<4096xf32, #tpu.memory_space<vmem>>, vector<16xf32>,
    } {sc.loop_unroll_factor = 8 : i64, sc.parallel_access}
    %dma_start3A_89 = arith.constant 8192 : i32
    %dma_start3A_90 = tpu.memref_slice %arg4[%mul3A_2, %dma_start3A_89] : memref<832x16384xf32, #tpu.memory_space<hbm>> -> memref<1x4096xf32, #tpu.memory_space<hbm>>
    %dma_start3A_91 = tpu.memref_squeeze %dma_start3A_90 : memref<1x4096xf32, #tpu.memory_space<hbm>> -> memref<4096xf32, #tpu.memory_space<hbm>>
    %dma_start3A_92 = arith.constant 8192 : i32
    %dma_start3A_93 = tpu.memref_slice %arg4[%mul3A_2, %dma_start3A_92] : memref<832x16384xf32, #tpu.memory_space<hbm>> -> memref<1x4096xf32, #tpu.memory_space<hbm>>
    %dma_start3A_94 = tpu.memref_squeeze %dma_start3A_93 : memref<1x4096xf32, #tpu.memory_space<hbm>> -> memref<4096xf32, #tpu.memory_space<hbm>>
    tpu.enqueue_dma source(%arg7 : memref<4096xf32, #tpu.memory_space<vmem>>) target(%dma_start3A_94 : memref<4096xf32, #tpu.memory_space<hbm>>) target_semaphore(%arg10 : memref<!tpu.dma_semaphore, #tpu.memory_space<semaphore_mem>>)
    %dma_wait3A_95 = arith.constant 12288 : i32
    %dma_wait3A_96 = tpu.memref_slice %arg4[%mul3A_2, %dma_wait3A_95] : memref<832x16384xf32, #tpu.memory_space<hbm>> -> memref<1x4096xf32, #tpu.memory_space<hbm>>
    %dma_wait3A_97 = tpu.memref_squeeze %dma_wait3A_96 : memref<1x4096xf32, #tpu.memory_space<hbm>> -> memref<4096xf32, #tpu.memory_space<hbm>>
    %dma_wait3A_98 = arith.constant 12288 : i32
    %dma_wait3A_99 = tpu.memref_slice %arg4[%mul3A_2, %dma_wait3A_98] : memref<832x16384xf32, #tpu.memory_space<hbm>> -> memref<1x4096xf32, #tpu.memory_space<hbm>>
    %dma_wait3A_100 = tpu.memref_squeeze %dma_wait3A_99 : memref<1x4096xf32, #tpu.memory_space<hbm>> -> memref<4096xf32, #tpu.memory_space<hbm>>
    tpu.wait_dma2 semaphore(%arg11 : memref<!tpu.dma_semaphore, #tpu.memory_space<semaphore_mem>>) src(%arg8 : memref<4096xf32, #tpu.memory_space<vmem>>) dst(%dma_wait3A_100 : memref<4096xf32, #tpu.memory_space<hbm>>)
    %parallel_loop3A_101 = arith.constant 0 : i32
    %parallel_loop3A_102 = arith.constant 256 : i32
    %parallel_loop3A_103 = arith.constant 1 : i32
    scf.for %parallel_loop3A_159 = %parallel_loop3A_101 to %parallel_loop3A_102 step %parallel_loop3A_103  : i32 {
      %parallel_loop3A_160 = arith.constant 16 : i32
      %parallel_loop3A_161 = arith.muli %parallel_loop3A_159, %parallel_loop3A_160 : i32
      %parallel_loop3A_162 = arith.constant 12288 : i32
      %parallel_loop3A_163 = arith.addi %parallel_loop3A_162, %parallel_loop3A_161 : i32
      %parallel_loop3A_164 = arith.index_cast %parallel_loop3A_163 : i32 to index
      %parallel_loop3A_165 = tpu.vector_load %arg6[%parallel_loop3A_164] {strides = array<i32>} : memref<16384xi32, #tpu.memory_space<vmem>>, vector<16xi32>,
      %parallel_loop3A_166 = tpu.vector_load_idx %arg5[%parallel_loop3A_165] : memref<100000xf32, #tpu.memory_space<vmem>>[vector<16xi32>], vector<16xf32>,
      %parallel_loop3A_167 = arith.constant 16 : i32
      %parallel_loop3A_168 = arith.muli %parallel_loop3A_159, %parallel_loop3A_167 : i32
      %parallel_loop3A_169 = arith.index_cast %parallel_loop3A_168 : i32 to index
      %parallel_loop3A_170 = tpu.vector_load %arg8[%parallel_loop3A_169] {strides = array<i32>} : memref<4096xf32, #tpu.memory_space<vmem>>, vector<16xf32>,
      tpu.vector_store %arg8[%parallel_loop3A_169], %parallel_loop3A_166 {strides = array<i32>} : memref<4096xf32, #tpu.memory_space<vmem>>, vector<16xf32>,
    } {sc.loop_unroll_factor = 8 : i64, sc.parallel_access}
    %dma_start3A_104 = arith.constant 12288 : i32
    %dma_start3A_105 = tpu.memref_slice %arg4[%mul3A_2, %dma_start3A_104] : memref<832x16384xf32, #tpu.memory_space<hbm>> -> memref<1x4096xf32, #tpu.memory_space<hbm>>
    %dma_start3A_106 = tpu.memref_squeeze %dma_start3A_105 : memref<1x4096xf32, #tpu.memory_space<hbm>> -> memref<4096xf32, #tpu.memory_space<hbm>>
    %dma_start3A_107 = arith.constant 12288 : i32
    %dma_start3A_108 = tpu.memref_slice %arg4[%mul3A_2, %dma_start3A_107] : memref<832x16384xf32, #tpu.memory_space<hbm>> -> memref<1x4096xf32, #tpu.memory_space<hbm>>
    %dma_start3A_109 = tpu.memref_squeeze %dma_start3A_108 : memref<1x4096xf32, #tpu.memory_space<hbm>> -> memref<4096xf32, #tpu.memory_space<hbm>>
    tpu.enqueue_dma source(%arg8 : memref<4096xf32, #tpu.memory_space<vmem>>) target(%dma_start3A_109 : memref<4096xf32, #tpu.memory_space<hbm>>) target_semaphore(%arg11 : memref<!tpu.dma_semaphore, #tpu.memory_space<semaphore_mem>>)
    %add3A_110 = arith.constant 1 : i32
    %add3A_111 = arith.addi %mul3A_2, %add3A_110 : i32
    %min3A_112 = arith.constant 831 : i32
    %min3A_113 = arith.minsi %add3A_111, %min3A_112 : i32
    %dma_start3A_114 = arith.constant 0 : i32
    %dma_start3A_115 = tpu.memref_slice %arg2[%min3A_113, %dma_start3A_114] : memref<832x100000xf32, #tpu.memory_space<hbm>> -> memref<1x100000xf32, #tpu.memory_space<hbm>>
    %dma_start3A_116 = tpu.memref_squeeze %dma_start3A_115 : memref<1x100000xf32, #tpu.memory_space<hbm>> -> memref<100000xf32, #tpu.memory_space<hbm>>
    %dma_start3A_117 = arith.constant 0 : i32
    %dma_start3A_118 = tpu.memref_slice %arg2[%min3A_113, %dma_start3A_117] : memref<832x100000xf32, #tpu.memory_space<hbm>> -> memref<1x100000xf32, #tpu.memory_space<hbm>>
    %dma_start3A_119 = tpu.memref_squeeze %dma_start3A_118 : memref<1x100000xf32, #tpu.memory_space<hbm>> -> memref<100000xf32, #tpu.memory_space<hbm>>
    tpu.enqueue_dma source(%dma_start3A_119 : memref<100000xf32, #tpu.memory_space<hbm>>) target(%arg5 : memref<100000xf32, #tpu.memory_space<vmem>>) target_semaphore(%arg9 : memref<!tpu.dma_semaphore, #tpu.memory_space<semaphore_mem>>)
    %add3A_120 = arith.constant 1 : i32
    %add3A_121 = arith.addi %mul3A_2, %add3A_120 : i32
    %while3A = arith.constant 0 : i32
    %while3A_122 = arith.subi %min3A, %add3A_121 : i32
    %while3A_123 = arith.addi %add3A_121, %while3A_122 : i32
    %while3A_124 = arith.constant 1 : i32
    %while3A_125 = arith.divsi %while3A_122, %while3A_124 : i32
    %while3A_126 = arith.muli %while3A_125, %while3A_124 : i32
    %while3A_127 = arith.addi %add3A_121, %while3A_126 : i32
    %while3A_128 = arith.constant 1 : i32
    scf.for %while3A_159 = %add3A_121 to %while3A_127 step %while3A_128  : i32 {
      %dma_wait3A_160 = arith.constant 0 : i32
      %dma_wait3A_161 = tpu.memref_slice %arg2[%while3A_159, %dma_wait3A_160] : memref<832x100000xf32, #tpu.memory_space<hbm>> -> memref<1x100000xf32, #tpu.memory_space<hbm>>
      %dma_wait3A_162 = tpu.memref_squeeze %dma_wait3A_161 : memref<1x100000xf32, #tpu.memory_space<hbm>> -> memref<100000xf32, #tpu.memory_space<hbm>>
      %dma_wait3A_163 = arith.constant 0 : i32
      %dma_wait3A_164 = tpu.memref_slice %arg2[%while3A_159, %dma_wait3A_163] : memref<832x100000xf32, #tpu.memory_space<hbm>> -> memref<1x100000xf32, #tpu.memory_space<hbm>>
      %dma_wait3A_165 = tpu.memref_squeeze %dma_wait3A_164 : memref<1x100000xf32, #tpu.memory_space<hbm>> -> memref<100000xf32, #tpu.memory_space<hbm>>
      tpu.wait_dma2 semaphore(%arg9 : memref<!tpu.dma_semaphore, #tpu.memory_space<semaphore_mem>>) src(%dma_wait3A_165 : memref<100000xf32, #tpu.memory_space<hbm>>) dst(%arg5 : memref<100000xf32, #tpu.memory_space<vmem>>)
      %dma_wait3A_166 = arith.constant 0 : i32
      %dma_wait3A_167 = tpu.memref_slice %arg4[%while3A_159, %dma_wait3A_166] : memref<832x16384xf32, #tpu.memory_space<hbm>> -> memref<1x4096xf32, #tpu.memory_space<hbm>>
      %dma_wait3A_168 = tpu.memref_squeeze %dma_wait3A_167 : memref<1x4096xf32, #tpu.memory_space<hbm>> -> memref<4096xf32, #tpu.memory_space<hbm>>
      %dma_wait3A_169 = arith.constant 0 : i32
      %dma_wait3A_170 = tpu.memref_slice %arg4[%while3A_159, %dma_wait3A_169] : memref<832x16384xf32, #tpu.memory_space<hbm>> -> memref<1x4096xf32, #tpu.memory_space<hbm>>
      %dma_wait3A_171 = tpu.memref_squeeze %dma_wait3A_170 : memref<1x4096xf32, #tpu.memory_space<hbm>> -> memref<4096xf32, #tpu.memory_space<hbm>>
      tpu.wait_dma2 semaphore(%arg10 : memref<!tpu.dma_semaphore, #tpu.memory_space<semaphore_mem>>) src(%arg7 : memref<4096xf32, #tpu.memory_space<vmem>>) dst(%dma_wait3A_171 : memref<4096xf32, #tpu.memory_space<hbm>>)
      %parallel_loop3A_172 = arith.constant 0 : i32
      %parallel_loop3A_173 = arith.constant 256 : i32
      %parallel_loop3A_174 = arith.constant 1 : i32
      scf.for %parallel_loop3A_236 = %parallel_loop3A_172 to %parallel_loop3A_173 step %parallel_loop3A_174  : i32 {
        %parallel_loop3A_237 = arith.constant 16 : i32
        %parallel_loop3A_238 = arith.muli %parallel_loop3A_236, %parallel_loop3A_237 : i32
        %parallel_loop3A_239 = arith.constant 0 : i32
        %parallel_loop3A_240 = arith.addi %parallel_loop3A_239, %parallel_loop3A_238 : i32
        %parallel_loop3A_241 = arith.index_cast %parallel_loop3A_240 : i32 to index
        %parallel_loop3A_242 = tpu.vector_load %arg6[%parallel_loop3A_241] {strides = array<i32>} : memref<16384xi32, #tpu.memory_space<vmem>>, vector<16xi32>,
        %parallel_loop3A_243 = tpu.vector_load_idx %arg5[%parallel_loop3A_242] : memref<100000xf32, #tpu.memory_space<vmem>>[vector<16xi32>], vector<16xf32>,
        %parallel_loop3A_244 = arith.constant 16 : i32
        %parallel_loop3A_245 = arith.muli %parallel_loop3A_236, %parallel_loop3A_244 : i32
        %parallel_loop3A_246 = arith.index_cast %parallel_loop3A_245 : i32 to index
        %parallel_loop3A_247 = tpu.vector_load %arg7[%parallel_loop3A_246] {strides = array<i32>} : memref<4096xf32, #tpu.memory_space<vmem>>, vector<16xf32>,
        tpu.vector_store %arg7[%parallel_loop3A_246], %parallel_loop3A_243 {strides = array<i32>} : memref<4096xf32, #tpu.memory_space<vmem>>, vector<16xf32>,
      } {sc.loop_unroll_factor = 8 : i64, sc.parallel_access}
      %dma_start3A_175 = arith.constant 0 : i32
      %dma_start3A_176 = tpu.memref_slice %arg4[%while3A_159, %dma_start3A_175] : memref<832x16384xf32, #tpu.memory_space<hbm>> -> memref<1x4096xf32, #tpu.memory_space<hbm>>
      %dma_start3A_177 = tpu.memref_squeeze %dma_start3A_176 : memref<1x4096xf32, #tpu.memory_space<hbm>> -> memref<4096xf32, #tpu.memory_space<hbm>>
      %dma_start3A_178 = arith.constant 0 : i32
      %dma_start3A_179 = tpu.memref_slice %arg4[%while3A_159, %dma_start3A_178] : memref<832x16384xf32, #tpu.memory_space<hbm>> -> memref<1x4096xf32, #tpu.memory_space<hbm>>
      %dma_start3A_180 = tpu.memref_squeeze %dma_start3A_179 : memref<1x4096xf32, #tpu.memory_space<hbm>> -> memref<4096xf32, #tpu.memory_space<hbm>>
      tpu.enqueue_dma source(%arg7 : memref<4096xf32, #tpu.memory_space<vmem>>) target(%dma_start3A_180 : memref<4096xf32, #tpu.memory_space<hbm>>) target_semaphore(%arg10 : memref<!tpu.dma_semaphore, #tpu.memory_space<semaphore_mem>>)
      %dma_wait3A_181 = arith.constant 4096 : i32
      %dma_wait3A_182 = tpu.memref_slice %arg4[%while3A_159, %dma_wait3A_181] : memref<832x16384xf32, #tpu.memory_space<hbm>> -> memref<1x4096xf32, #tpu.memory_space<hbm>>
      %dma_wait3A_183 = tpu.memref_squeeze %dma_wait3A_182 : memref<1x4096xf32, #tpu.memory_space<hbm>> -> memref<4096xf32, #tpu.memory_space<hbm>>
      %dma_wait3A_184 = arith.constant 4096 : i32
      %dma_wait3A_185 = tpu.memref_slice %arg4[%while3A_159, %dma_wait3A_184] : memref<832x16384xf32, #tpu.memory_space<hbm>> -> memref<1x4096xf32, #tpu.memory_space<hbm>>
      %dma_wait3A_186 = tpu.memref_squeeze %dma_wait3A_185 : memref<1x4096xf32, #tpu.memory_space<hbm>> -> memref<4096xf32, #tpu.memory_space<hbm>>
      tpu.wait_dma2 semaphore(%arg11 : memref<!tpu.dma_semaphore, #tpu.memory_space<semaphore_mem>>) src(%arg8 : memref<4096xf32, #tpu.memory_space<vmem>>) dst(%dma_wait3A_186 : memref<4096xf32, #tpu.memory_space<hbm>>)
      %parallel_loop3A_187 = arith.constant 0 : i32
      %parallel_loop3A_188 = arith.constant 256 : i32
      %parallel_loop3A_189 = arith.constant 1 : i32
      scf.for %parallel_loop3A_236 = %parallel_loop3A_187 to %parallel_loop3A_188 step %parallel_loop3A_189  : i32 {
        %parallel_loop3A_237 = arith.constant 16 : i32
        %parallel_loop3A_238 = arith.muli %parallel_loop3A_236, %parallel_loop3A_237 : i32
        %parallel_loop3A_239 = arith.constant 4096 : i32
        %parallel_loop3A_240 = arith.addi %parallel_loop3A_239, %parallel_loop3A_238 : i32
        %parallel_loop3A_241 = arith.index_cast %parallel_loop3A_240 : i32 to index
        %parallel_loop3A_242 = tpu.vector_load %arg6[%parallel_loop3A_241] {strides = array<i32>} : memref<16384xi32, #tpu.memory_space<vmem>>, vector<16xi32>,
        %parallel_loop3A_243 = tpu.vector_load_idx %arg5[%parallel_loop3A_242] : memref<100000xf32, #tpu.memory_space<vmem>>[vector<16xi32>], vector<16xf32>,
        %parallel_loop3A_244 = arith.constant 16 : i32
        %parallel_loop3A_245 = arith.muli %parallel_loop3A_236, %parallel_loop3A_244 : i32
        %parallel_loop3A_246 = arith.index_cast %parallel_loop3A_245 : i32 to index
        %parallel_loop3A_247 = tpu.vector_load %arg8[%parallel_loop3A_246] {strides = array<i32>} : memref<4096xf32, #tpu.memory_space<vmem>>, vector<16xf32>,
        tpu.vector_store %arg8[%parallel_loop3A_246], %parallel_loop3A_243 {strides = array<i32>} : memref<4096xf32, #tpu.memory_space<vmem>>, vector<16xf32>,
      } {sc.loop_unroll_factor = 8 : i64, sc.parallel_access}
      %dma_start3A_190 = arith.constant 4096 : i32
      %dma_start3A_191 = tpu.memref_slice %arg4[%while3A_159, %dma_start3A_190] : memref<832x16384xf32, #tpu.memory_space<hbm>> -> memref<1x4096xf32, #tpu.memory_space<hbm>>
      %dma_start3A_192 = tpu.memref_squeeze %dma_start3A_191 : memref<1x4096xf32, #tpu.memory_space<hbm>> -> memref<4096xf32, #tpu.memory_space<hbm>>
      %dma_start3A_193 = arith.constant 4096 : i32
      %dma_start3A_194 = tpu.memref_slice %arg4[%while3A_159, %dma_start3A_193] : memref<832x16384xf32, #tpu.memory_space<hbm>> -> memref<1x4096xf32, #tpu.memory_space<hbm>>
      %dma_start3A_195 = tpu.memref_squeeze %dma_start3A_194 : memref<1x4096xf32, #tpu.memory_space<hbm>> -> memref<4096xf32, #tpu.memory_space<hbm>>
      tpu.enqueue_dma source(%arg8 : memref<4096xf32, #tpu.memory_space<vmem>>) target(%dma_start3A_195 : memref<4096xf32, #tpu.memory_space<hbm>>) target_semaphore(%arg11 : memref<!tpu.dma_semaphore, #tpu.memory_space<semaphore_mem>>)
      %dma_wait3A_196 = arith.constant 8192 : i32
      %dma_wait3A_197 = tpu.memref_slice %arg4[%while3A_159, %dma_wait3A_196] : memref<832x16384xf32, #tpu.memory_space<hbm>> -> memref<1x4096xf32, #tpu.memory_space<hbm>>
      %dma_wait3A_198 = tpu.memref_squeeze %dma_wait3A_197 : memref<1x4096xf32, #tpu.memory_space<hbm>> -> memref<4096xf32, #tpu.memory_space<hbm>>
      %dma_wait3A_199 = arith.constant 8192 : i32
      %dma_wait3A_200 = tpu.memref_slice %arg4[%while3A_159, %dma_wait3A_199] : memref<832x16384xf32, #tpu.memory_space<hbm>> -> memref<1x4096xf32, #tpu.memory_space<hbm>>
      %dma_wait3A_201 = tpu.memref_squeeze %dma_wait3A_200 : memref<1x4096xf32, #tpu.memory_space<hbm>> -> memref<4096xf32, #tpu.memory_space<hbm>>
      tpu.wait_dma2 semaphore(%arg10 : memref<!tpu.dma_semaphore, #tpu.memory_space<semaphore_mem>>) src(%arg7 : memref<4096xf32, #tpu.memory_space<vmem>>) dst(%dma_wait3A_201 : memref<4096xf32, #tpu.memory_space<hbm>>)
      %parallel_loop3A_202 = arith.constant 0 : i32
      %parallel_loop3A_203 = arith.constant 256 : i32
      %parallel_loop3A_204 = arith.constant 1 : i32
      scf.for %parallel_loop3A_236 = %parallel_loop3A_202 to %parallel_loop3A_203 step %parallel_loop3A_204  : i32 {
        %parallel_loop3A_237 = arith.constant 16 : i32
        %parallel_loop3A_238 = arith.muli %parallel_loop3A_236, %parallel_loop3A_237 : i32
        %parallel_loop3A_239 = arith.constant 8192 : i32
        %parallel_loop3A_240 = arith.addi %parallel_loop3A_239, %parallel_loop3A_238 : i32
        %parallel_loop3A_241 = arith.index_cast %parallel_loop3A_240 : i32 to index
        %parallel_loop3A_242 = tpu.vector_load %arg6[%parallel_loop3A_241] {strides = array<i32>} : memref<16384xi32, #tpu.memory_space<vmem>>, vector<16xi32>,
        %parallel_loop3A_243 = tpu.vector_load_idx %arg5[%parallel_loop3A_242] : memref<100000xf32, #tpu.memory_space<vmem>>[vector<16xi32>], vector<16xf32>,
        %parallel_loop3A_244 = arith.constant 16 : i32
        %parallel_loop3A_245 = arith.muli %parallel_loop3A_236, %parallel_loop3A_244 : i32
        %parallel_loop3A_246 = arith.index_cast %parallel_loop3A_245 : i32 to index
        %parallel_loop3A_247 = tpu.vector_load %arg7[%parallel_loop3A_246] {strides = array<i32>} : memref<4096xf32, #tpu.memory_space<vmem>>, vector<16xf32>,
        tpu.vector_store %arg7[%parallel_loop3A_246], %parallel_loop3A_243 {strides = array<i32>} : memref<4096xf32, #tpu.memory_space<vmem>>, vector<16xf32>,
      } {sc.loop_unroll_factor = 8 : i64, sc.parallel_access}
      %dma_start3A_205 = arith.constant 8192 : i32
      %dma_start3A_206 = tpu.memref_slice %arg4[%while3A_159, %dma_start3A_205] : memref<832x16384xf32, #tpu.memory_space<hbm>> -> memref<1x4096xf32, #tpu.memory_space<hbm>>
      %dma_start3A_207 = tpu.memref_squeeze %dma_start3A_206 : memref<1x4096xf32, #tpu.memory_space<hbm>> -> memref<4096xf32, #tpu.memory_space<hbm>>
      %dma_start3A_208 = arith.constant 8192 : i32
      %dma_start3A_209 = tpu.memref_slice %arg4[%while3A_159, %dma_start3A_208] : memref<832x16384xf32, #tpu.memory_space<hbm>> -> memref<1x4096xf32, #tpu.memory_space<hbm>>
      %dma_start3A_210 = tpu.memref_squeeze %dma_start3A_209 : memref<1x4096xf32, #tpu.memory_space<hbm>> -> memref<4096xf32, #tpu.memory_space<hbm>>
      tpu.enqueue_dma source(%arg7 : memref<4096xf32, #tpu.memory_space<vmem>>) target(%dma_start3A_210 : memref<4096xf32, #tpu.memory_space<hbm>>) target_semaphore(%arg10 : memref<!tpu.dma_semaphore, #tpu.memory_space<semaphore_mem>>)
      %dma_wait3A_211 = arith.constant 12288 : i32
      %dma_wait3A_212 = tpu.memref_slice %arg4[%while3A_159, %dma_wait3A_211] : memref<832x16384xf32, #tpu.memory_space<hbm>> -> memref<1x4096xf32, #tpu.memory_space<hbm>>
      %dma_wait3A_213 = tpu.memref_squeeze %dma_wait3A_212 : memref<1x4096xf32, #tpu.memory_space<hbm>> -> memref<4096xf32, #tpu.memory_space<hbm>>
      %dma_wait3A_214 = arith.constant 12288 : i32
      %dma_wait3A_215 = tpu.memref_slice %arg4[%while3A_159, %dma_wait3A_214] : memref<832x16384xf32, #tpu.memory_space<hbm>> -> memref<1x4096xf32, #tpu.memory_space<hbm>>
      %dma_wait3A_216 = tpu.memref_squeeze %dma_wait3A_215 : memref<1x4096xf32, #tpu.memory_space<hbm>> -> memref<4096xf32, #tpu.memory_space<hbm>>
      tpu.wait_dma2 semaphore(%arg11 : memref<!tpu.dma_semaphore, #tpu.memory_space<semaphore_mem>>) src(%arg8 : memref<4096xf32, #tpu.memory_space<vmem>>) dst(%dma_wait3A_216 : memref<4096xf32, #tpu.memory_space<hbm>>)
      %parallel_loop3A_217 = arith.constant 0 : i32
      %parallel_loop3A_218 = arith.constant 256 : i32
      %parallel_loop3A_219 = arith.constant 1 : i32
      scf.for %parallel_loop3A_236 = %parallel_loop3A_217 to %parallel_loop3A_218 step %parallel_loop3A_219  : i32 {
        %parallel_loop3A_237 = arith.constant 16 : i32
        %parallel_loop3A_238 = arith.muli %parallel_loop3A_236, %parallel_loop3A_237 : i32
        %parallel_loop3A_239 = arith.constant 12288 : i32
        %parallel_loop3A_240 = arith.addi %parallel_loop3A_239, %parallel_loop3A_238 : i32
        %parallel_loop3A_241 = arith.index_cast %parallel_loop3A_240 : i32 to index
        %parallel_loop3A_242 = tpu.vector_load %arg6[%parallel_loop3A_241] {strides = array<i32>} : memref<16384xi32, #tpu.memory_space<vmem>>, vector<16xi32>,
        %parallel_loop3A_243 = tpu.vector_load_idx %arg5[%parallel_loop3A_242] : memref<100000xf32, #tpu.memory_space<vmem>>[vector<16xi32>], vector<16xf32>,
        %parallel_loop3A_244 = arith.constant 16 : i32
        %parallel_loop3A_245 = arith.muli %parallel_loop3A_236, %parallel_loop3A_244 : i32
        %parallel_loop3A_246 = arith.index_cast %parallel_loop3A_245 : i32 to index
        %parallel_loop3A_247 = tpu.vector_load %arg8[%parallel_loop3A_246] {strides = array<i32>} : memref<4096xf32, #tpu.memory_space<vmem>>, vector<16xf32>,
        tpu.vector_store %arg8[%parallel_loop3A_246], %parallel_loop3A_243 {strides = array<i32>} : memref<4096xf32, #tpu.memory_space<vmem>>, vector<16xf32>,
      } {sc.loop_unroll_factor = 8 : i64, sc.parallel_access}
      %dma_start3A_220 = arith.constant 12288 : i32
      %dma_start3A_221 = tpu.memref_slice %arg4[%while3A_159, %dma_start3A_220] : memref<832x16384xf32, #tpu.memory_space<hbm>> -> memref<1x4096xf32, #tpu.memory_space<hbm>>
      %dma_start3A_222 = tpu.memref_squeeze %dma_start3A_221 : memref<1x4096xf32, #tpu.memory_space<hbm>> -> memref<4096xf32, #tpu.memory_space<hbm>>
      %dma_start3A_223 = arith.constant 12288 : i32
      %dma_start3A_224 = tpu.memref_slice %arg4[%while3A_159, %dma_start3A_223] : memref<832x16384xf32, #tpu.memory_space<hbm>> -> memref<1x4096xf32, #tpu.memory_space<hbm>>
      %dma_start3A_225 = tpu.memref_squeeze %dma_start3A_224 : memref<1x4096xf32, #tpu.memory_space<hbm>> -> memref<4096xf32, #tpu.memory_space<hbm>>
      tpu.enqueue_dma source(%arg8 : memref<4096xf32, #tpu.memory_space<vmem>>) target(%dma_start3A_225 : memref<4096xf32, #tpu.memory_space<hbm>>) target_semaphore(%arg11 : memref<!tpu.dma_semaphore, #tpu.memory_space<semaphore_mem>>)
      %add3A_226 = arith.constant 1 : i32
      %add3A_227 = arith.addi %while3A_159, %add3A_226 : i32
      %min3A_228 = arith.constant 831 : i32
      %min3A_229 = arith.minsi %add3A_227, %min3A_228 : i32
      %dma_start3A_230 = arith.constant 0 : i32
      %dma_start3A_231 = tpu.memref_slice %arg2[%min3A_229, %dma_start3A_230] : memref<832x100000xf32, #tpu.memory_space<hbm>> -> memref<1x100000xf32, #tpu.memory_space<hbm>>
      %dma_start3A_232 = tpu.memref_squeeze %dma_start3A_231 : memref<1x100000xf32, #tpu.memory_space<hbm>> -> memref<100000xf32, #tpu.memory_space<hbm>>
      %dma_start3A_233 = arith.constant 0 : i32
      %dma_start3A_234 = tpu.memref_slice %arg2[%min3A_229, %dma_start3A_233] : memref<832x100000xf32, #tpu.memory_space<hbm>> -> memref<1x100000xf32, #tpu.memory_space<hbm>>
      %dma_start3A_235 = tpu.memref_squeeze %dma_start3A_234 : memref<1x100000xf32, #tpu.memory_space<hbm>> -> memref<100000xf32, #tpu.memory_space<hbm>>
      tpu.enqueue_dma source(%dma_start3A_235 : memref<100000xf32, #tpu.memory_space<hbm>>) target(%arg5 : memref<100000xf32, #tpu.memory_space<vmem>>) target_semaphore(%arg9 : memref<!tpu.dma_semaphore, #tpu.memory_space<semaphore_mem>>)
    }
    %while3A_129 = arith.constant 1 : i32
    scf.for %while3A_159 = %while3A_127 to %while3A_123 step %while3A_129  : i32 {
      %dma_wait3A_160 = arith.constant 0 : i32
      %dma_wait3A_161 = tpu.memref_slice %arg2[%while3A_159, %dma_wait3A_160] : memref<832x100000xf32, #tpu.memory_space<hbm>> -> memref<1x100000xf32, #tpu.memory_space<hbm>>
      %dma_wait3A_162 = tpu.memref_squeeze %dma_wait3A_161 : memref<1x100000xf32, #tpu.memory_space<hbm>> -> memref<100000xf32, #tpu.memory_space<hbm>>
      %dma_wait3A_163 = arith.constant 0 : i32
      %dma_wait3A_164 = tpu.memref_slice %arg2[%while3A_159, %dma_wait3A_163] : memref<832x100000xf32, #tpu.memory_space<hbm>> -> memref<1x100000xf32, #tpu.memory_space<hbm>>
      %dma_wait3A_165 = tpu.memref_squeeze %dma_wait3A_164 : memref<1x100000xf32, #tpu.memory_space<hbm>> -> memref<100000xf32, #tpu.memory_space<hbm>>
      tpu.wait_dma2 semaphore(%arg9 : memref<!tpu.dma_semaphore, #tpu.memory_space<semaphore_mem>>) src(%dma_wait3A_165 : memref<100000xf32, #tpu.memory_space<hbm>>) dst(%arg5 : memref<100000xf32, #tpu.memory_space<vmem>>)
      %dma_wait3A_166 = arith.constant 0 : i32
      %dma_wait3A_167 = tpu.memref_slice %arg4[%while3A_159, %dma_wait3A_166] : memref<832x16384xf32, #tpu.memory_space<hbm>> -> memref<1x4096xf32, #tpu.memory_space<hbm>>
      %dma_wait3A_168 = tpu.memref_squeeze %dma_wait3A_167 : memref<1x4096xf32, #tpu.memory_space<hbm>> -> memref<4096xf32, #tpu.memory_space<hbm>>
      %dma_wait3A_169 = arith.constant 0 : i32
      %dma_wait3A_170 = tpu.memref_slice %arg4[%while3A_159, %dma_wait3A_169] : memref<832x16384xf32, #tpu.memory_space<hbm>> -> memref<1x4096xf32, #tpu.memory_space<hbm>>
      %dma_wait3A_171 = tpu.memref_squeeze %dma_wait3A_170 : memref<1x4096xf32, #tpu.memory_space<hbm>> -> memref<4096xf32, #tpu.memory_space<hbm>>
      tpu.wait_dma2 semaphore(%arg10 : memref<!tpu.dma_semaphore, #tpu.memory_space<semaphore_mem>>) src(%arg7 : memref<4096xf32, #tpu.memory_space<vmem>>) dst(%dma_wait3A_171 : memref<4096xf32, #tpu.memory_space<hbm>>)
      %parallel_loop3A_172 = arith.constant 0 : i32
      %parallel_loop3A_173 = arith.constant 256 : i32
      %parallel_loop3A_174 = arith.constant 1 : i32
      scf.for %parallel_loop3A_236 = %parallel_loop3A_172 to %parallel_loop3A_173 step %parallel_loop3A_174  : i32 {
        %parallel_loop3A_237 = arith.constant 16 : i32
        %parallel_loop3A_238 = arith.muli %parallel_loop3A_236, %parallel_loop3A_237 : i32
        %parallel_loop3A_239 = arith.constant 0 : i32
        %parallel_loop3A_240 = arith.addi %parallel_loop3A_239, %parallel_loop3A_238 : i32
        %parallel_loop3A_241 = arith.index_cast %parallel_loop3A_240 : i32 to index
        %parallel_loop3A_242 = tpu.vector_load %arg6[%parallel_loop3A_241] {strides = array<i32>} : memref<16384xi32, #tpu.memory_space<vmem>>, vector<16xi32>,
        %parallel_loop3A_243 = tpu.vector_load_idx %arg5[%parallel_loop3A_242] : memref<100000xf32, #tpu.memory_space<vmem>>[vector<16xi32>], vector<16xf32>,
        %parallel_loop3A_244 = arith.constant 16 : i32
        %parallel_loop3A_245 = arith.muli %parallel_loop3A_236, %parallel_loop3A_244 : i32
        %parallel_loop3A_246 = arith.index_cast %parallel_loop3A_245 : i32 to index
        %parallel_loop3A_247 = tpu.vector_load %arg7[%parallel_loop3A_246] {strides = array<i32>} : memref<4096xf32, #tpu.memory_space<vmem>>, vector<16xf32>,
        tpu.vector_store %arg7[%parallel_loop3A_246], %parallel_loop3A_243 {strides = array<i32>} : memref<4096xf32, #tpu.memory_space<vmem>>, vector<16xf32>,
      } {sc.loop_unroll_factor = 8 : i64, sc.parallel_access}
      %dma_start3A_175 = arith.constant 0 : i32
      %dma_start3A_176 = tpu.memref_slice %arg4[%while3A_159, %dma_start3A_175] : memref<832x16384xf32, #tpu.memory_space<hbm>> -> memref<1x4096xf32, #tpu.memory_space<hbm>>
      %dma_start3A_177 = tpu.memref_squeeze %dma_start3A_176 : memref<1x4096xf32, #tpu.memory_space<hbm>> -> memref<4096xf32, #tpu.memory_space<hbm>>
      %dma_start3A_178 = arith.constant 0 : i32
      %dma_start3A_179 = tpu.memref_slice %arg4[%while3A_159, %dma_start3A_178] : memref<832x16384xf32, #tpu.memory_space<hbm>> -> memref<1x4096xf32, #tpu.memory_space<hbm>>
      %dma_start3A_180 = tpu.memref_squeeze %dma_start3A_179 : memref<1x4096xf32, #tpu.memory_space<hbm>> -> memref<4096xf32, #tpu.memory_space<hbm>>
      tpu.enqueue_dma source(%arg7 : memref<4096xf32, #tpu.memory_space<vmem>>) target(%dma_start3A_180 : memref<4096xf32, #tpu.memory_space<hbm>>) target_semaphore(%arg10 : memref<!tpu.dma_semaphore, #tpu.memory_space<semaphore_mem>>)
      %dma_wait3A_181 = arith.constant 4096 : i32
      %dma_wait3A_182 = tpu.memref_slice %arg4[%while3A_159, %dma_wait3A_181] : memref<832x16384xf32, #tpu.memory_space<hbm>> -> memref<1x4096xf32, #tpu.memory_space<hbm>>
      %dma_wait3A_183 = tpu.memref_squeeze %dma_wait3A_182 : memref<1x4096xf32, #tpu.memory_space<hbm>> -> memref<4096xf32, #tpu.memory_space<hbm>>
      %dma_wait3A_184 = arith.constant 4096 : i32
      %dma_wait3A_185 = tpu.memref_slice %arg4[%while3A_159, %dma_wait3A_184] : memref<832x16384xf32, #tpu.memory_space<hbm>> -> memref<1x4096xf32, #tpu.memory_space<hbm>>
      %dma_wait3A_186 = tpu.memref_squeeze %dma_wait3A_185 : memref<1x4096xf32, #tpu.memory_space<hbm>> -> memref<4096xf32, #tpu.memory_space<hbm>>
      tpu.wait_dma2 semaphore(%arg11 : memref<!tpu.dma_semaphore, #tpu.memory_space<semaphore_mem>>) src(%arg8 : memref<4096xf32, #tpu.memory_space<vmem>>) dst(%dma_wait3A_186 : memref<4096xf32, #tpu.memory_space<hbm>>)
      %parallel_loop3A_187 = arith.constant 0 : i32
      %parallel_loop3A_188 = arith.constant 256 : i32
      %parallel_loop3A_189 = arith.constant 1 : i32
      scf.for %parallel_loop3A_236 = %parallel_loop3A_187 to %parallel_loop3A_188 step %parallel_loop3A_189  : i32 {
        %parallel_loop3A_237 = arith.constant 16 : i32
        %parallel_loop3A_238 = arith.muli %parallel_loop3A_236, %parallel_loop3A_237 : i32
        %parallel_loop3A_239 = arith.constant 4096 : i32
        %parallel_loop3A_240 = arith.addi %parallel_loop3A_239, %parallel_loop3A_238 : i32
        %parallel_loop3A_241 = arith.index_cast %parallel_loop3A_240 : i32 to index
        %parallel_loop3A_242 = tpu.vector_load %arg6[%parallel_loop3A_241] {strides = array<i32>} : memref<16384xi32, #tpu.memory_space<vmem>>, vector<16xi32>,
        %parallel_loop3A_243 = tpu.vector_load_idx %arg5[%parallel_loop3A_242] : memref<100000xf32, #tpu.memory_space<vmem>>[vector<16xi32>], vector<16xf32>,
        %parallel_loop3A_244 = arith.constant 16 : i32
        %parallel_loop3A_245 = arith.muli %parallel_loop3A_236, %parallel_loop3A_244 : i32
        %parallel_loop3A_246 = arith.index_cast %parallel_loop3A_245 : i32 to index
        %parallel_loop3A_247 = tpu.vector_load %arg8[%parallel_loop3A_246] {strides = array<i32>} : memref<4096xf32, #tpu.memory_space<vmem>>, vector<16xf32>,
        tpu.vector_store %arg8[%parallel_loop3A_246], %parallel_loop3A_243 {strides = array<i32>} : memref<4096xf32, #tpu.memory_space<vmem>>, vector<16xf32>,
      } {sc.loop_unroll_factor = 8 : i64, sc.parallel_access}
      %dma_start3A_190 = arith.constant 4096 : i32
      %dma_start3A_191 = tpu.memref_slice %arg4[%while3A_159, %dma_start3A_190] : memref<832x16384xf32, #tpu.memory_space<hbm>> -> memref<1x4096xf32, #tpu.memory_space<hbm>>
      %dma_start3A_192 = tpu.memref_squeeze %dma_start3A_191 : memref<1x4096xf32, #tpu.memory_space<hbm>> -> memref<4096xf32, #tpu.memory_space<hbm>>
      %dma_start3A_193 = arith.constant 4096 : i32
      %dma_start3A_194 = tpu.memref_slice %arg4[%while3A_159, %dma_start3A_193] : memref<832x16384xf32, #tpu.memory_space<hbm>> -> memref<1x4096xf32, #tpu.memory_space<hbm>>
      %dma_start3A_195 = tpu.memref_squeeze %dma_start3A_194 : memref<1x4096xf32, #tpu.memory_space<hbm>> -> memref<4096xf32, #tpu.memory_space<hbm>>
      tpu.enqueue_dma source(%arg8 : memref<4096xf32, #tpu.memory_space<vmem>>) target(%dma_start3A_195 : memref<4096xf32, #tpu.memory_space<hbm>>) target_semaphore(%arg11 : memref<!tpu.dma_semaphore, #tpu.memory_space<semaphore_mem>>)
      %dma_wait3A_196 = arith.constant 8192 : i32
      %dma_wait3A_197 = tpu.memref_slice %arg4[%while3A_159, %dma_wait3A_196] : memref<832x16384xf32, #tpu.memory_space<hbm>> -> memref<1x4096xf32, #tpu.memory_space<hbm>>
      %dma_wait3A_198 = tpu.memref_squeeze %dma_wait3A_197 : memref<1x4096xf32, #tpu.memory_space<hbm>> -> memref<4096xf32, #tpu.memory_space<hbm>>
      %dma_wait3A_199 = arith.constant 8192 : i32
      %dma_wait3A_200 = tpu.memref_slice %arg4[%while3A_159, %dma_wait3A_199] : memref<832x16384xf32, #tpu.memory_space<hbm>> -> memref<1x4096xf32, #tpu.memory_space<hbm>>
      %dma_wait3A_201 = tpu.memref_squeeze %dma_wait3A_200 : memref<1x4096xf32, #tpu.memory_space<hbm>> -> memref<4096xf32, #tpu.memory_space<hbm>>
      tpu.wait_dma2 semaphore(%arg10 : memref<!tpu.dma_semaphore, #tpu.memory_space<semaphore_mem>>) src(%arg7 : memref<4096xf32, #tpu.memory_space<vmem>>) dst(%dma_wait3A_201 : memref<4096xf32, #tpu.memory_space<hbm>>)
      %parallel_loop3A_202 = arith.constant 0 : i32
      %parallel_loop3A_203 = arith.constant 256 : i32
      %parallel_loop3A_204 = arith.constant 1 : i32
      scf.for %parallel_loop3A_236 = %parallel_loop3A_202 to %parallel_loop3A_203 step %parallel_loop3A_204  : i32 {
        %parallel_loop3A_237 = arith.constant 16 : i32
        %parallel_loop3A_238 = arith.muli %parallel_loop3A_236, %parallel_loop3A_237 : i32
        %parallel_loop3A_239 = arith.constant 8192 : i32
        %parallel_loop3A_240 = arith.addi %parallel_loop3A_239, %parallel_loop3A_238 : i32
        %parallel_loop3A_241 = arith.index_cast %parallel_loop3A_240 : i32 to index
        %parallel_loop3A_242 = tpu.vector_load %arg6[%parallel_loop3A_241] {strides = array<i32>} : memref<16384xi32, #tpu.memory_space<vmem>>, vector<16xi32>,
        %parallel_loop3A_243 = tpu.vector_load_idx %arg5[%parallel_loop3A_242] : memref<100000xf32, #tpu.memory_space<vmem>>[vector<16xi32>], vector<16xf32>,
        %parallel_loop3A_244 = arith.constant 16 : i32
        %parallel_loop3A_245 = arith.muli %parallel_loop3A_236, %parallel_loop3A_244 : i32
        %parallel_loop3A_246 = arith.index_cast %parallel_loop3A_245 : i32 to index
        %parallel_loop3A_247 = tpu.vector_load %arg7[%parallel_loop3A_246] {strides = array<i32>} : memref<4096xf32, #tpu.memory_space<vmem>>, vector<16xf32>,
        tpu.vector_store %arg7[%parallel_loop3A_246], %parallel_loop3A_243 {strides = array<i32>} : memref<4096xf32, #tpu.memory_space<vmem>>, vector<16xf32>,
      } {sc.loop_unroll_factor = 8 : i64, sc.parallel_access}
      %dma_start3A_205 = arith.constant 8192 : i32
      %dma_start3A_206 = tpu.memref_slice %arg4[%while3A_159, %dma_start3A_205] : memref<832x16384xf32, #tpu.memory_space<hbm>> -> memref<1x4096xf32, #tpu.memory_space<hbm>>
      %dma_start3A_207 = tpu.memref_squeeze %dma_start3A_206 : memref<1x4096xf32, #tpu.memory_space<hbm>> -> memref<4096xf32, #tpu.memory_space<hbm>>
      %dma_start3A_208 = arith.constant 8192 : i32
      %dma_start3A_209 = tpu.memref_slice %arg4[%while3A_159, %dma_start3A_208] : memref<832x16384xf32, #tpu.memory_space<hbm>> -> memref<1x4096xf32, #tpu.memory_space<hbm>>
      %dma_start3A_210 = tpu.memref_squeeze %dma_start3A_209 : memref<1x4096xf32, #tpu.memory_space<hbm>> -> memref<4096xf32, #tpu.memory_space<hbm>>
      tpu.enqueue_dma source(%arg7 : memref<4096xf32, #tpu.memory_space<vmem>>) target(%dma_start3A_210 : memref<4096xf32, #tpu.memory_space<hbm>>) target_semaphore(%arg10 : memref<!tpu.dma_semaphore, #tpu.memory_space<semaphore_mem>>)
      %dma_wait3A_211 = arith.constant 12288 : i32
      %dma_wait3A_212 = tpu.memref_slice %arg4[%while3A_159, %dma_wait3A_211] : memref<832x16384xf32, #tpu.memory_space<hbm>> -> memref<1x4096xf32, #tpu.memory_space<hbm>>
      %dma_wait3A_213 = tpu.memref_squeeze %dma_wait3A_212 : memref<1x4096xf32, #tpu.memory_space<hbm>> -> memref<4096xf32, #tpu.memory_space<hbm>>
      %dma_wait3A_214 = arith.constant 12288 : i32
      %dma_wait3A_215 = tpu.memref_slice %arg4[%while3A_159, %dma_wait3A_214] : memref<832x16384xf32, #tpu.memory_space<hbm>> -> memref<1x4096xf32, #tpu.memory_space<hbm>>
      %dma_wait3A_216 = tpu.memref_squeeze %dma_wait3A_215 : memref<1x4096xf32, #tpu.memory_space<hbm>> -> memref<4096xf32, #tpu.memory_space<hbm>>
      tpu.wait_dma2 semaphore(%arg11 : memref<!tpu.dma_semaphore, #tpu.memory_space<semaphore_mem>>) src(%arg8 : memref<4096xf32, #tpu.memory_space<vmem>>) dst(%dma_wait3A_216 : memref<4096xf32, #tpu.memory_space<hbm>>)
      %parallel_loop3A_217 = arith.constant 0 : i32
      %parallel_loop3A_218 = arith.constant 256 : i32
      %parallel_loop3A_219 = arith.constant 1 : i32
      scf.for %parallel_loop3A_236 = %parallel_loop3A_217 to %parallel_loop3A_218 step %parallel_loop3A_219  : i32 {
        %parallel_loop3A_237 = arith.constant 16 : i32
        %parallel_loop3A_238 = arith.muli %parallel_loop3A_236, %parallel_loop3A_237 : i32
        %parallel_loop3A_239 = arith.constant 12288 : i32
        %parallel_loop3A_240 = arith.addi %parallel_loop3A_239, %parallel_loop3A_238 : i32
        %parallel_loop3A_241 = arith.index_cast %parallel_loop3A_240 : i32 to index
        %parallel_loop3A_242 = tpu.vector_load %arg6[%parallel_loop3A_241] {strides = array<i32>} : memref<16384xi32, #tpu.memory_space<vmem>>, vector<16xi32>,
        %parallel_loop3A_243 = tpu.vector_load_idx %arg5[%parallel_loop3A_242] : memref<100000xf32, #tpu.memory_space<vmem>>[vector<16xi32>], vector<16xf32>,
        %parallel_loop3A_244 = arith.constant 16 : i32
        %parallel_loop3A_245 = arith.muli %parallel_loop3A_236, %parallel_loop3A_244 : i32
        %parallel_loop3A_246 = arith.index_cast %parallel_loop3A_245 : i32 to index
        %parallel_loop3A_247 = tpu.vector_load %arg8[%parallel_loop3A_246] {strides = array<i32>} : memref<4096xf32, #tpu.memory_space<vmem>>, vector<16xf32>,
        tpu.vector_store %arg8[%parallel_loop3A_246], %parallel_loop3A_243 {strides = array<i32>} : memref<4096xf32, #tpu.memory_space<vmem>>, vector<16xf32>,
      } {sc.loop_unroll_factor = 8 : i64, sc.parallel_access}
      %dma_start3A_220 = arith.constant 12288 : i32
      %dma_start3A_221 = tpu.memref_slice %arg4[%while3A_159, %dma_start3A_220] : memref<832x16384xf32, #tpu.memory_space<hbm>> -> memref<1x4096xf32, #tpu.memory_space<hbm>>
      %dma_start3A_222 = tpu.memref_squeeze %dma_start3A_221 : memref<1x4096xf32, #tpu.memory_space<hbm>> -> memref<4096xf32, #tpu.memory_space<hbm>>
      %dma_start3A_223 = arith.constant 12288 : i32
      %dma_start3A_224 = tpu.memref_slice %arg4[%while3A_159, %dma_start3A_223] : memref<832x16384xf32, #tpu.memory_space<hbm>> -> memref<1x4096xf32, #tpu.memory_space<hbm>>
      %dma_start3A_225 = tpu.memref_squeeze %dma_start3A_224 : memref<1x4096xf32, #tpu.memory_space<hbm>> -> memref<4096xf32, #tpu.memory_space<hbm>>
      tpu.enqueue_dma source(%arg8 : memref<4096xf32, #tpu.memory_space<vmem>>) target(%dma_start3A_225 : memref<4096xf32, #tpu.memory_space<hbm>>) target_semaphore(%arg11 : memref<!tpu.dma_semaphore, #tpu.memory_space<semaphore_mem>>)
      %add3A_226 = arith.constant 1 : i32
      %add3A_227 = arith.addi %while3A_159, %add3A_226 : i32
      %min3A_228 = arith.constant 831 : i32
      %min3A_229 = arith.minsi %add3A_227, %min3A_228 : i32
      %dma_start3A_230 = arith.constant 0 : i32
      %dma_start3A_231 = tpu.memref_slice %arg2[%min3A_229, %dma_start3A_230] : memref<832x100000xf32, #tpu.memory_space<hbm>> -> memref<1x100000xf32, #tpu.memory_space<hbm>>
      %dma_start3A_232 = tpu.memref_squeeze %dma_start3A_231 : memref<1x100000xf32, #tpu.memory_space<hbm>> -> memref<100000xf32, #tpu.memory_space<hbm>>
      %dma_start3A_233 = arith.constant 0 : i32
      %dma_start3A_234 = tpu.memref_slice %arg2[%min3A_229, %dma_start3A_233] : memref<832x100000xf32, #tpu.memory_space<hbm>> -> memref<1x100000xf32, #tpu.memory_space<hbm>>
      %dma_start3A_235 = tpu.memref_squeeze %dma_start3A_234 : memref<1x100000xf32, #tpu.memory_space<hbm>> -> memref<100000xf32, #tpu.memory_space<hbm>>
      tpu.enqueue_dma source(%dma_start3A_235 : memref<100000xf32, #tpu.memory_space<hbm>>) target(%arg5 : memref<100000xf32, #tpu.memory_space<vmem>>) target_semaphore(%arg9 : memref<!tpu.dma_semaphore, #tpu.memory_space<semaphore_mem>>)
    }
    "tpu.region"() ({
      %run_scoped3A = tpu.sem_alloc : memref<!tpu.dma_semaphore, #tpu.memory_space<semaphore_mem>>
      %dma_start3A_159 = arith.constant 0 : i32
      %dma_start3A_160 = tpu.memref_slice %arg3[%select_n3A_46, %dma_start3A_159] : memref<26x16384xi32, #tpu.memory_space<hbm>> -> memref<1x16384xi32, #tpu.memory_space<hbm>>
      %dma_start3A_161 = tpu.memref_squeeze %dma_start3A_160 : memref<1x16384xi32, #tpu.memory_space<hbm>> -> memref<16384xi32, #tpu.memory_space<hbm>>
      %dma_start3A_162 = arith.constant 0 : i32
      %dma_start3A_163 = tpu.memref_slice %arg3[%select_n3A_46, %dma_start3A_162] : memref<26x16384xi32, #tpu.memory_space<hbm>> -> memref<1x16384xi32, #tpu.memory_space<hbm>>
      %dma_start3A_164 = tpu.memref_squeeze %dma_start3A_163 : memref<1x16384xi32, #tpu.memory_space<hbm>> -> memref<16384xi32, #tpu.memory_space<hbm>>
      tpu.enqueue_dma source(%dma_start3A_164 : memref<16384xi32, #tpu.memory_space<hbm>>) target(%arg6 : memref<16384xi32, #tpu.memory_space<vmem>>) target_semaphore(%run_scoped3A : memref<!tpu.dma_semaphore, #tpu.memory_space<semaphore_mem>>)
      %dma_wait3A_165 = arith.constant 0 : i32
      %dma_wait3A_166 = tpu.memref_slice %arg3[%select_n3A_46, %dma_wait3A_165] : memref<26x16384xi32, #tpu.memory_space<hbm>> -> memref<1x16384xi32, #tpu.memory_space<hbm>>
      %dma_wait3A_167 = tpu.memref_squeeze %dma_wait3A_166 : memref<1x16384xi32, #tpu.memory_space<hbm>> -> memref<16384xi32, #tpu.memory_space<hbm>>
      %dma_wait3A_168 = arith.constant 0 : i32
      %dma_wait3A_169 = tpu.memref_slice %arg3[%select_n3A_46, %dma_wait3A_168] : memref<26x16384xi32, #tpu.memory_space<hbm>> -> memref<1x16384xi32, #tpu.memory_space<hbm>>
      %dma_wait3A_170 = tpu.memref_squeeze %dma_wait3A_169 : memref<1x16384xi32, #tpu.memory_space<hbm>> -> memref<16384xi32, #tpu.memory_space<hbm>>
      tpu.wait_dma2 semaphore(%run_scoped3A : memref<!tpu.dma_semaphore, #tpu.memory_space<semaphore_mem>>) src(%dma_wait3A_170 : memref<16384xi32, #tpu.memory_space<hbm>>) dst(%arg6 : memref<16384xi32, #tpu.memory_space<vmem>>)
      tpu.yield
    }) : () -> ()
    %add3A_130 = arith.constant 26 : i32
    %add3A_131 = arith.addi %mul3A_2, %add3A_130 : i32
    %while3A_132 = arith.constant 0 : i32
    %while3A_133 = arith.subi %add3A_131, %min3A : i32
    %while3A_134 = arith.addi %min3A, %while3A_133 : i32
    %while3A_135 = arith.constant 1 : i32
    %while3A_136 = arith.divsi %while3A_133, %while3A_135 : i32
    %while3A_137 = arith.muli %while3A_136, %while3A_135 : i32
    %while3A_138 = arith.addi %min3A, %while3A_137 : i32
    %while3A_139 = arith.constant 1 : i32
    scf.for %while3A_159 = %min3A to %while3A_138 step %while3A_139  : i32 {
      %dma_wait3A_160 = arith.constant 0 : i32
      %dma_wait3A_161 = tpu.memref_slice %arg2[%while3A_159, %dma_wait3A_160] : memref<832x100000xf32, #tpu.memory_space<hbm>> -> memref<1x100000xf32, #tpu.memory_space<hbm>>
      %dma_wait3A_162 = tpu.memref_squeeze %dma_wait3A_161 : memref<1x100000xf32, #tpu.memory_space<hbm>> -> memref<100000xf32, #tpu.memory_space<hbm>>
      %dma_wait3A_163 = arith.constant 0 : i32
      %dma_wait3A_164 = tpu.memref_slice %arg2[%while3A_159, %dma_wait3A_163] : memref<832x100000xf32, #tpu.memory_space<hbm>> -> memref<1x100000xf32, #tpu.memory_space<hbm>>
      %dma_wait3A_165 = tpu.memref_squeeze %dma_wait3A_164 : memref<1x100000xf32, #tpu.memory_space<hbm>> -> memref<100000xf32, #tpu.memory_space<hbm>>
      tpu.wait_dma2 semaphore(%arg9 : memref<!tpu.dma_semaphore, #tpu.memory_space<semaphore_mem>>) src(%dma_wait3A_165 : memref<100000xf32, #tpu.memory_space<hbm>>) dst(%arg5 : memref<100000xf32, #tpu.memory_space<vmem>>)
      %dma_wait3A_166 = arith.constant 0 : i32
      %dma_wait3A_167 = tpu.memref_slice %arg4[%while3A_159, %dma_wait3A_166] : memref<832x16384xf32, #tpu.memory_space<hbm>> -> memref<1x4096xf32, #tpu.memory_space<hbm>>
      %dma_wait3A_168 = tpu.memref_squeeze %dma_wait3A_167 : memref<1x4096xf32, #tpu.memory_space<hbm>> -> memref<4096xf32, #tpu.memory_space<hbm>>
      %dma_wait3A_169 = arith.constant 0 : i32
      %dma_wait3A_170 = tpu.memref_slice %arg4[%while3A_159, %dma_wait3A_169] : memref<832x16384xf32, #tpu.memory_space<hbm>> -> memref<1x4096xf32, #tpu.memory_space<hbm>>
      %dma_wait3A_171 = tpu.memref_squeeze %dma_wait3A_170 : memref<1x4096xf32, #tpu.memory_space<hbm>> -> memref<4096xf32, #tpu.memory_space<hbm>>
      tpu.wait_dma2 semaphore(%arg10 : memref<!tpu.dma_semaphore, #tpu.memory_space<semaphore_mem>>) src(%arg7 : memref<4096xf32, #tpu.memory_space<vmem>>) dst(%dma_wait3A_171 : memref<4096xf32, #tpu.memory_space<hbm>>)
      %parallel_loop3A_172 = arith.constant 0 : i32
      %parallel_loop3A_173 = arith.constant 256 : i32
      %parallel_loop3A_174 = arith.constant 1 : i32
      scf.for %parallel_loop3A_236 = %parallel_loop3A_172 to %parallel_loop3A_173 step %parallel_loop3A_174  : i32 {
        %parallel_loop3A_237 = arith.constant 16 : i32
        %parallel_loop3A_238 = arith.muli %parallel_loop3A_236, %parallel_loop3A_237 : i32
        %parallel_loop3A_239 = arith.constant 0 : i32
        %parallel_loop3A_240 = arith.addi %parallel_loop3A_239, %parallel_loop3A_238 : i32
        %parallel_loop3A_241 = arith.index_cast %parallel_loop3A_240 : i32 to index
        %parallel_loop3A_242 = tpu.vector_load %arg6[%parallel_loop3A_241] {strides = array<i32>} : memref<16384xi32, #tpu.memory_space<vmem>>, vector<16xi32>,
        %parallel_loop3A_243 = tpu.vector_load_idx %arg5[%parallel_loop3A_242] : memref<100000xf32, #tpu.memory_space<vmem>>[vector<16xi32>], vector<16xf32>,
        %parallel_loop3A_244 = arith.constant 16 : i32
        %parallel_loop3A_245 = arith.muli %parallel_loop3A_236, %parallel_loop3A_244 : i32
        %parallel_loop3A_246 = arith.index_cast %parallel_loop3A_245 : i32 to index
        %parallel_loop3A_247 = tpu.vector_load %arg7[%parallel_loop3A_246] {strides = array<i32>} : memref<4096xf32, #tpu.memory_space<vmem>>, vector<16xf32>,
        tpu.vector_store %arg7[%parallel_loop3A_246], %parallel_loop3A_243 {strides = array<i32>} : memref<4096xf32, #tpu.memory_space<vmem>>, vector<16xf32>,
      } {sc.loop_unroll_factor = 8 : i64, sc.parallel_access}
      %dma_start3A_175 = arith.constant 0 : i32
      %dma_start3A_176 = tpu.memref_slice %arg4[%while3A_159, %dma_start3A_175] : memref<832x16384xf32, #tpu.memory_space<hbm>> -> memref<1x4096xf32, #tpu.memory_space<hbm>>
      %dma_start3A_177 = tpu.memref_squeeze %dma_start3A_176 : memref<1x4096xf32, #tpu.memory_space<hbm>> -> memref<4096xf32, #tpu.memory_space<hbm>>
      %dma_start3A_178 = arith.constant 0 : i32
      %dma_start3A_179 = tpu.memref_slice %arg4[%while3A_159, %dma_start3A_178] : memref<832x16384xf32, #tpu.memory_space<hbm>> -> memref<1x4096xf32, #tpu.memory_space<hbm>>
      %dma_start3A_180 = tpu.memref_squeeze %dma_start3A_179 : memref<1x4096xf32, #tpu.memory_space<hbm>> -> memref<4096xf32, #tpu.memory_space<hbm>>
      tpu.enqueue_dma source(%arg7 : memref<4096xf32, #tpu.memory_space<vmem>>) target(%dma_start3A_180 : memref<4096xf32, #tpu.memory_space<hbm>>) target_semaphore(%arg10 : memref<!tpu.dma_semaphore, #tpu.memory_space<semaphore_mem>>)
      %dma_wait3A_181 = arith.constant 4096 : i32
      %dma_wait3A_182 = tpu.memref_slice %arg4[%while3A_159, %dma_wait3A_181] : memref<832x16384xf32, #tpu.memory_space<hbm>> -> memref<1x4096xf32, #tpu.memory_space<hbm>>
      %dma_wait3A_183 = tpu.memref_squeeze %dma_wait3A_182 : memref<1x4096xf32, #tpu.memory_space<hbm>> -> memref<4096xf32, #tpu.memory_space<hbm>>
      %dma_wait3A_184 = arith.constant 4096 : i32
      %dma_wait3A_185 = tpu.memref_slice %arg4[%while3A_159, %dma_wait3A_184] : memref<832x16384xf32, #tpu.memory_space<hbm>> -> memref<1x4096xf32, #tpu.memory_space<hbm>>
      %dma_wait3A_186 = tpu.memref_squeeze %dma_wait3A_185 : memref<1x4096xf32, #tpu.memory_space<hbm>> -> memref<4096xf32, #tpu.memory_space<hbm>>
      tpu.wait_dma2 semaphore(%arg11 : memref<!tpu.dma_semaphore, #tpu.memory_space<semaphore_mem>>) src(%arg8 : memref<4096xf32, #tpu.memory_space<vmem>>) dst(%dma_wait3A_186 : memref<4096xf32, #tpu.memory_space<hbm>>)
      %parallel_loop3A_187 = arith.constant 0 : i32
      %parallel_loop3A_188 = arith.constant 256 : i32
      %parallel_loop3A_189 = arith.constant 1 : i32
      scf.for %parallel_loop3A_236 = %parallel_loop3A_187 to %parallel_loop3A_188 step %parallel_loop3A_189  : i32 {
        %parallel_loop3A_237 = arith.constant 16 : i32
        %parallel_loop3A_238 = arith.muli %parallel_loop3A_236, %parallel_loop3A_237 : i32
        %parallel_loop3A_239 = arith.constant 4096 : i32
        %parallel_loop3A_240 = arith.addi %parallel_loop3A_239, %parallel_loop3A_238 : i32
        %parallel_loop3A_241 = arith.index_cast %parallel_loop3A_240 : i32 to index
        %parallel_loop3A_242 = tpu.vector_load %arg6[%parallel_loop3A_241] {strides = array<i32>} : memref<16384xi32, #tpu.memory_space<vmem>>, vector<16xi32>,
        %parallel_loop3A_243 = tpu.vector_load_idx %arg5[%parallel_loop3A_242] : memref<100000xf32, #tpu.memory_space<vmem>>[vector<16xi32>], vector<16xf32>,
        %parallel_loop3A_244 = arith.constant 16 : i32
        %parallel_loop3A_245 = arith.muli %parallel_loop3A_236, %parallel_loop3A_244 : i32
        %parallel_loop3A_246 = arith.index_cast %parallel_loop3A_245 : i32 to index
        %parallel_loop3A_247 = tpu.vector_load %arg8[%parallel_loop3A_246] {strides = array<i32>} : memref<4096xf32, #tpu.memory_space<vmem>>, vector<16xf32>,
        tpu.vector_store %arg8[%parallel_loop3A_246], %parallel_loop3A_243 {strides = array<i32>} : memref<4096xf32, #tpu.memory_space<vmem>>, vector<16xf32>,
      } {sc.loop_unroll_factor = 8 : i64, sc.parallel_access}
      %dma_start3A_190 = arith.constant 4096 : i32
      %dma_start3A_191 = tpu.memref_slice %arg4[%while3A_159, %dma_start3A_190] : memref<832x16384xf32, #tpu.memory_space<hbm>> -> memref<1x4096xf32, #tpu.memory_space<hbm>>
      %dma_start3A_192 = tpu.memref_squeeze %dma_start3A_191 : memref<1x4096xf32, #tpu.memory_space<hbm>> -> memref<4096xf32, #tpu.memory_space<hbm>>
      %dma_start3A_193 = arith.constant 4096 : i32
      %dma_start3A_194 = tpu.memref_slice %arg4[%while3A_159, %dma_start3A_193] : memref<832x16384xf32, #tpu.memory_space<hbm>> -> memref<1x4096xf32, #tpu.memory_space<hbm>>
      %dma_start3A_195 = tpu.memref_squeeze %dma_start3A_194 : memref<1x4096xf32, #tpu.memory_space<hbm>> -> memref<4096xf32, #tpu.memory_space<hbm>>
      tpu.enqueue_dma source(%arg8 : memref<4096xf32, #tpu.memory_space<vmem>>) target(%dma_start3A_195 : memref<4096xf32, #tpu.memory_space<hbm>>) target_semaphore(%arg11 : memref<!tpu.dma_semaphore, #tpu.memory_space<semaphore_mem>>)
      %dma_wait3A_196 = arith.constant 8192 : i32
      %dma_wait3A_197 = tpu.memref_slice %arg4[%while3A_159, %dma_wait3A_196] : memref<832x16384xf32, #tpu.memory_space<hbm>> -> memref<1x4096xf32, #tpu.memory_space<hbm>>
      %dma_wait3A_198 = tpu.memref_squeeze %dma_wait3A_197 : memref<1x4096xf32, #tpu.memory_space<hbm>> -> memref<4096xf32, #tpu.memory_space<hbm>>
      %dma_wait3A_199 = arith.constant 8192 : i32
      %dma_wait3A_200 = tpu.memref_slice %arg4[%while3A_159, %dma_wait3A_199] : memref<832x16384xf32, #tpu.memory_space<hbm>> -> memref<1x4096xf32, #tpu.memory_space<hbm>>
      %dma_wait3A_201 = tpu.memref_squeeze %dma_wait3A_200 : memref<1x4096xf32, #tpu.memory_space<hbm>> -> memref<4096xf32, #tpu.memory_space<hbm>>
      tpu.wait_dma2 semaphore(%arg10 : memref<!tpu.dma_semaphore, #tpu.memory_space<semaphore_mem>>) src(%arg7 : memref<4096xf32, #tpu.memory_space<vmem>>) dst(%dma_wait3A_201 : memref<4096xf32, #tpu.memory_space<hbm>>)
      %parallel_loop3A_202 = arith.constant 0 : i32
      %parallel_loop3A_203 = arith.constant 256 : i32
      %parallel_loop3A_204 = arith.constant 1 : i32
      scf.for %parallel_loop3A_236 = %parallel_loop3A_202 to %parallel_loop3A_203 step %parallel_loop3A_204  : i32 {
        %parallel_loop3A_237 = arith.constant 16 : i32
        %parallel_loop3A_238 = arith.muli %parallel_loop3A_236, %parallel_loop3A_237 : i32
        %parallel_loop3A_239 = arith.constant 8192 : i32
        %parallel_loop3A_240 = arith.addi %parallel_loop3A_239, %parallel_loop3A_238 : i32
        %parallel_loop3A_241 = arith.index_cast %parallel_loop3A_240 : i32 to index
        %parallel_loop3A_242 = tpu.vector_load %arg6[%parallel_loop3A_241] {strides = array<i32>} : memref<16384xi32, #tpu.memory_space<vmem>>, vector<16xi32>,
        %parallel_loop3A_243 = tpu.vector_load_idx %arg5[%parallel_loop3A_242] : memref<100000xf32, #tpu.memory_space<vmem>>[vector<16xi32>], vector<16xf32>,
        %parallel_loop3A_244 = arith.constant 16 : i32
        %parallel_loop3A_245 = arith.muli %parallel_loop3A_236, %parallel_loop3A_244 : i32
        %parallel_loop3A_246 = arith.index_cast %parallel_loop3A_245 : i32 to index
        %parallel_loop3A_247 = tpu.vector_load %arg7[%parallel_loop3A_246] {strides = array<i32>} : memref<4096xf32, #tpu.memory_space<vmem>>, vector<16xf32>,
        tpu.vector_store %arg7[%parallel_loop3A_246], %parallel_loop3A_243 {strides = array<i32>} : memref<4096xf32, #tpu.memory_space<vmem>>, vector<16xf32>,
      } {sc.loop_unroll_factor = 8 : i64, sc.parallel_access}
      %dma_start3A_205 = arith.constant 8192 : i32
      %dma_start3A_206 = tpu.memref_slice %arg4[%while3A_159, %dma_start3A_205] : memref<832x16384xf32, #tpu.memory_space<hbm>> -> memref<1x4096xf32, #tpu.memory_space<hbm>>
      %dma_start3A_207 = tpu.memref_squeeze %dma_start3A_206 : memref<1x4096xf32, #tpu.memory_space<hbm>> -> memref<4096xf32, #tpu.memory_space<hbm>>
      %dma_start3A_208 = arith.constant 8192 : i32
      %dma_start3A_209 = tpu.memref_slice %arg4[%while3A_159, %dma_start3A_208] : memref<832x16384xf32, #tpu.memory_space<hbm>> -> memref<1x4096xf32, #tpu.memory_space<hbm>>
      %dma_start3A_210 = tpu.memref_squeeze %dma_start3A_209 : memref<1x4096xf32, #tpu.memory_space<hbm>> -> memref<4096xf32, #tpu.memory_space<hbm>>
      tpu.enqueue_dma source(%arg7 : memref<4096xf32, #tpu.memory_space<vmem>>) target(%dma_start3A_210 : memref<4096xf32, #tpu.memory_space<hbm>>) target_semaphore(%arg10 : memref<!tpu.dma_semaphore, #tpu.memory_space<semaphore_mem>>)
      %dma_wait3A_211 = arith.constant 12288 : i32
      %dma_wait3A_212 = tpu.memref_slice %arg4[%while3A_159, %dma_wait3A_211] : memref<832x16384xf32, #tpu.memory_space<hbm>> -> memref<1x4096xf32, #tpu.memory_space<hbm>>
      %dma_wait3A_213 = tpu.memref_squeeze %dma_wait3A_212 : memref<1x4096xf32, #tpu.memory_space<hbm>> -> memref<4096xf32, #tpu.memory_space<hbm>>
      %dma_wait3A_214 = arith.constant 12288 : i32
      %dma_wait3A_215 = tpu.memref_slice %arg4[%while3A_159, %dma_wait3A_214] : memref<832x16384xf32, #tpu.memory_space<hbm>> -> memref<1x4096xf32, #tpu.memory_space<hbm>>
      %dma_wait3A_216 = tpu.memref_squeeze %dma_wait3A_215 : memref<1x4096xf32, #tpu.memory_space<hbm>> -> memref<4096xf32, #tpu.memory_space<hbm>>
      tpu.wait_dma2 semaphore(%arg11 : memref<!tpu.dma_semaphore, #tpu.memory_space<semaphore_mem>>) src(%arg8 : memref<4096xf32, #tpu.memory_space<vmem>>) dst(%dma_wait3A_216 : memref<4096xf32, #tpu.memory_space<hbm>>)
      %parallel_loop3A_217 = arith.constant 0 : i32
      %parallel_loop3A_218 = arith.constant 256 : i32
      %parallel_loop3A_219 = arith.constant 1 : i32
      scf.for %parallel_loop3A_236 = %parallel_loop3A_217 to %parallel_loop3A_218 step %parallel_loop3A_219  : i32 {
        %parallel_loop3A_237 = arith.constant 16 : i32
        %parallel_loop3A_238 = arith.muli %parallel_loop3A_236, %parallel_loop3A_237 : i32
        %parallel_loop3A_239 = arith.constant 12288 : i32
        %parallel_loop3A_240 = arith.addi %parallel_loop3A_239, %parallel_loop3A_238 : i32
        %parallel_loop3A_241 = arith.index_cast %parallel_loop3A_240 : i32 to index
        %parallel_loop3A_242 = tpu.vector_load %arg6[%parallel_loop3A_241] {strides = array<i32>} : memref<16384xi32, #tpu.memory_space<vmem>>, vector<16xi32>,
        %parallel_loop3A_243 = tpu.vector_load_idx %arg5[%parallel_loop3A_242] : memref<100000xf32, #tpu.memory_space<vmem>>[vector<16xi32>], vector<16xf32>,
        %parallel_loop3A_244 = arith.constant 16 : i32
        %parallel_loop3A_245 = arith.muli %parallel_loop3A_236, %parallel_loop3A_244 : i32
        %parallel_loop3A_246 = arith.index_cast %parallel_loop3A_245 : i32 to index
        %parallel_loop3A_247 = tpu.vector_load %arg8[%parallel_loop3A_246] {strides = array<i32>} : memref<4096xf32, #tpu.memory_space<vmem>>, vector<16xf32>,
        tpu.vector_store %arg8[%parallel_loop3A_246], %parallel_loop3A_243 {strides = array<i32>} : memref<4096xf32, #tpu.memory_space<vmem>>, vector<16xf32>,
      } {sc.loop_unroll_factor = 8 : i64, sc.parallel_access}
      %dma_start3A_220 = arith.constant 12288 : i32
      %dma_start3A_221 = tpu.memref_slice %arg4[%while3A_159, %dma_start3A_220] : memref<832x16384xf32, #tpu.memory_space<hbm>> -> memref<1x4096xf32, #tpu.memory_space<hbm>>
      %dma_start3A_222 = tpu.memref_squeeze %dma_start3A_221 : memref<1x4096xf32, #tpu.memory_space<hbm>> -> memref<4096xf32, #tpu.memory_space<hbm>>
      %dma_start3A_223 = arith.constant 12288 : i32
      %dma_start3A_224 = tpu.memref_slice %arg4[%while3A_159, %dma_start3A_223] : memref<832x16384xf32, #tpu.memory_space<hbm>> -> memref<1x4096xf32, #tpu.memory_space<hbm>>
      %dma_start3A_225 = tpu.memref_squeeze %dma_start3A_224 : memref<1x4096xf32, #tpu.memory_space<hbm>> -> memref<4096xf32, #tpu.memory_space<hbm>>
      tpu.enqueue_dma source(%arg8 : memref<4096xf32, #tpu.memory_space<vmem>>) target(%dma_start3A_225 : memref<4096xf32, #tpu.memory_space<hbm>>) target_semaphore(%arg11 : memref<!tpu.dma_semaphore, #tpu.memory_space<semaphore_mem>>)
      %add3A_226 = arith.constant 1 : i32
      %add3A_227 = arith.addi %while3A_159, %add3A_226 : i32
      %min3A_228 = arith.constant 831 : i32
      %min3A_229 = arith.minsi %add3A_227, %min3A_228 : i32
      %dma_start3A_230 = arith.constant 0 : i32
      %dma_start3A_231 = tpu.memref_slice %arg2[%min3A_229, %dma_start3A_230] : memref<832x100000xf32, #tpu.memory_space<hbm>> -> memref<1x100000xf32, #tpu.memory_space<hbm>>
      %dma_start3A_232 = tpu.memref_squeeze %dma_start3A_231 : memref<1x100000xf32, #tpu.memory_space<hbm>> -> memref<100000xf32, #tpu.memory_space<hbm>>
      %dma_start3A_233 = arith.constant 0 : i32
      %dma_start3A_234 = tpu.memref_slice %arg2[%min3A_229, %dma_start3A_233] : memref<832x100000xf32, #tpu.memory_space<hbm>> -> memref<1x100000xf32, #tpu.memory_space<hbm>>
      %dma_start3A_235 = tpu.memref_squeeze %dma_start3A_234 : memref<1x100000xf32, #tpu.memory_space<hbm>> -> memref<100000xf32, #tpu.memory_space<hbm>>
      tpu.enqueue_dma source(%dma_start3A_235 : memref<100000xf32, #tpu.memory_space<hbm>>) target(%arg5 : memref<100000xf32, #tpu.memory_space<vmem>>) target_semaphore(%arg9 : memref<!tpu.dma_semaphore, #tpu.memory_space<semaphore_mem>>)
    }
    %while3A_140 = arith.constant 1 : i32
    scf.for %while3A_159 = %while3A_138 to %while3A_134 step %while3A_140  : i32 {
      %dma_wait3A_160 = arith.constant 0 : i32
      %dma_wait3A_161 = tpu.memref_slice %arg2[%while3A_159, %dma_wait3A_160] : memref<832x100000xf32, #tpu.memory_space<hbm>> -> memref<1x100000xf32, #tpu.memory_space<hbm>>
      %dma_wait3A_162 = tpu.memref_squeeze %dma_wait3A_161 : memref<1x100000xf32, #tpu.memory_space<hbm>> -> memref<100000xf32, #tpu.memory_space<hbm>>
      %dma_wait3A_163 = arith.constant 0 : i32
      %dma_wait3A_164 = tpu.memref_slice %arg2[%while3A_159, %dma_wait3A_163] : memref<832x100000xf32, #tpu.memory_space<hbm>> -> memref<1x100000xf32, #tpu.memory_space<hbm>>
      %dma_wait3A_165 = tpu.memref_squeeze %dma_wait3A_164 : memref<1x100000xf32, #tpu.memory_space<hbm>> -> memref<100000xf32, #tpu.memory_space<hbm>>
      tpu.wait_dma2 semaphore(%arg9 : memref<!tpu.dma_semaphore, #tpu.memory_space<semaphore_mem>>) src(%dma_wait3A_165 : memref<100000xf32, #tpu.memory_space<hbm>>) dst(%arg5 : memref<100000xf32, #tpu.memory_space<vmem>>)
      %dma_wait3A_166 = arith.constant 0 : i32
      %dma_wait3A_167 = tpu.memref_slice %arg4[%while3A_159, %dma_wait3A_166] : memref<832x16384xf32, #tpu.memory_space<hbm>> -> memref<1x4096xf32, #tpu.memory_space<hbm>>
      %dma_wait3A_168 = tpu.memref_squeeze %dma_wait3A_167 : memref<1x4096xf32, #tpu.memory_space<hbm>> -> memref<4096xf32, #tpu.memory_space<hbm>>
      %dma_wait3A_169 = arith.constant 0 : i32
      %dma_wait3A_170 = tpu.memref_slice %arg4[%while3A_159, %dma_wait3A_169] : memref<832x16384xf32, #tpu.memory_space<hbm>> -> memref<1x4096xf32, #tpu.memory_space<hbm>>
      %dma_wait3A_171 = tpu.memref_squeeze %dma_wait3A_170 : memref<1x4096xf32, #tpu.memory_space<hbm>> -> memref<4096xf32, #tpu.memory_space<hbm>>
      tpu.wait_dma2 semaphore(%arg10 : memref<!tpu.dma_semaphore, #tpu.memory_space<semaphore_mem>>) src(%arg7 : memref<4096xf32, #tpu.memory_space<vmem>>) dst(%dma_wait3A_171 : memref<4096xf32, #tpu.memory_space<hbm>>)
      %parallel_loop3A_172 = arith.constant 0 : i32
      %parallel_loop3A_173 = arith.constant 256 : i32
      %parallel_loop3A_174 = arith.constant 1 : i32
      scf.for %parallel_loop3A_236 = %parallel_loop3A_172 to %parallel_loop3A_173 step %parallel_loop3A_174  : i32 {
        %parallel_loop3A_237 = arith.constant 16 : i32
        %parallel_loop3A_238 = arith.muli %parallel_loop3A_236, %parallel_loop3A_237 : i32
        %parallel_loop3A_239 = arith.constant 0 : i32
        %parallel_loop3A_240 = arith.addi %parallel_loop3A_239, %parallel_loop3A_238 : i32
        %parallel_loop3A_241 = arith.index_cast %parallel_loop3A_240 : i32 to index
        %parallel_loop3A_242 = tpu.vector_load %arg6[%parallel_loop3A_241] {strides = array<i32>} : memref<16384xi32, #tpu.memory_space<vmem>>, vector<16xi32>,
        %parallel_loop3A_243 = tpu.vector_load_idx %arg5[%parallel_loop3A_242] : memref<100000xf32, #tpu.memory_space<vmem>>[vector<16xi32>], vector<16xf32>,
        %parallel_loop3A_244 = arith.constant 16 : i32
        %parallel_loop3A_245 = arith.muli %parallel_loop3A_236, %parallel_loop3A_244 : i32
        %parallel_loop3A_246 = arith.index_cast %parallel_loop3A_245 : i32 to index
        %parallel_loop3A_247 = tpu.vector_load %arg7[%parallel_loop3A_246] {strides = array<i32>} : memref<4096xf32, #tpu.memory_space<vmem>>, vector<16xf32>,
        tpu.vector_store %arg7[%parallel_loop3A_246], %parallel_loop3A_243 {strides = array<i32>} : memref<4096xf32, #tpu.memory_space<vmem>>, vector<16xf32>,
      } {sc.loop_unroll_factor = 8 : i64, sc.parallel_access}
      %dma_start3A_175 = arith.constant 0 : i32
      %dma_start3A_176 = tpu.memref_slice %arg4[%while3A_159, %dma_start3A_175] : memref<832x16384xf32, #tpu.memory_space<hbm>> -> memref<1x4096xf32, #tpu.memory_space<hbm>>
      %dma_start3A_177 = tpu.memref_squeeze %dma_start3A_176 : memref<1x4096xf32, #tpu.memory_space<hbm>> -> memref<4096xf32, #tpu.memory_space<hbm>>
      %dma_start3A_178 = arith.constant 0 : i32
      %dma_start3A_179 = tpu.memref_slice %arg4[%while3A_159, %dma_start3A_178] : memref<832x16384xf32, #tpu.memory_space<hbm>> -> memref<1x4096xf32, #tpu.memory_space<hbm>>
      %dma_start3A_180 = tpu.memref_squeeze %dma_start3A_179 : memref<1x4096xf32, #tpu.memory_space<hbm>> -> memref<4096xf32, #tpu.memory_space<hbm>>
      tpu.enqueue_dma source(%arg7 : memref<4096xf32, #tpu.memory_space<vmem>>) target(%dma_start3A_180 : memref<4096xf32, #tpu.memory_space<hbm>>) target_semaphore(%arg10 : memref<!tpu.dma_semaphore, #tpu.memory_space<semaphore_mem>>)
      %dma_wait3A_181 = arith.constant 4096 : i32
      %dma_wait3A_182 = tpu.memref_slice %arg4[%while3A_159, %dma_wait3A_181] : memref<832x16384xf32, #tpu.memory_space<hbm>> -> memref<1x4096xf32, #tpu.memory_space<hbm>>
      %dma_wait3A_183 = tpu.memref_squeeze %dma_wait3A_182 : memref<1x4096xf32, #tpu.memory_space<hbm>> -> memref<4096xf32, #tpu.memory_space<hbm>>
      %dma_wait3A_184 = arith.constant 4096 : i32
      %dma_wait3A_185 = tpu.memref_slice %arg4[%while3A_159, %dma_wait3A_184] : memref<832x16384xf32, #tpu.memory_space<hbm>> -> memref<1x4096xf32, #tpu.memory_space<hbm>>
      %dma_wait3A_186 = tpu.memref_squeeze %dma_wait3A_185 : memref<1x4096xf32, #tpu.memory_space<hbm>> -> memref<4096xf32, #tpu.memory_space<hbm>>
      tpu.wait_dma2 semaphore(%arg11 : memref<!tpu.dma_semaphore, #tpu.memory_space<semaphore_mem>>) src(%arg8 : memref<4096xf32, #tpu.memory_space<vmem>>) dst(%dma_wait3A_186 : memref<4096xf32, #tpu.memory_space<hbm>>)
      %parallel_loop3A_187 = arith.constant 0 : i32
      %parallel_loop3A_188 = arith.constant 256 : i32
      %parallel_loop3A_189 = arith.constant 1 : i32
      scf.for %parallel_loop3A_236 = %parallel_loop3A_187 to %parallel_loop3A_188 step %parallel_loop3A_189  : i32 {
        %parallel_loop3A_237 = arith.constant 16 : i32
        %parallel_loop3A_238 = arith.muli %parallel_loop3A_236, %parallel_loop3A_237 : i32
        %parallel_loop3A_239 = arith.constant 4096 : i32
        %parallel_loop3A_240 = arith.addi %parallel_loop3A_239, %parallel_loop3A_238 : i32
        %parallel_loop3A_241 = arith.index_cast %parallel_loop3A_240 : i32 to index
        %parallel_loop3A_242 = tpu.vector_load %arg6[%parallel_loop3A_241] {strides = array<i32>} : memref<16384xi32, #tpu.memory_space<vmem>>, vector<16xi32>,
        %parallel_loop3A_243 = tpu.vector_load_idx %arg5[%parallel_loop3A_242] : memref<100000xf32, #tpu.memory_space<vmem>>[vector<16xi32>], vector<16xf32>,
        %parallel_loop3A_244 = arith.constant 16 : i32
        %parallel_loop3A_245 = arith.muli %parallel_loop3A_236, %parallel_loop3A_244 : i32
        %parallel_loop3A_246 = arith.index_cast %parallel_loop3A_245 : i32 to index
        %parallel_loop3A_247 = tpu.vector_load %arg8[%parallel_loop3A_246] {strides = array<i32>} : memref<4096xf32, #tpu.memory_space<vmem>>, vector<16xf32>,
        tpu.vector_store %arg8[%parallel_loop3A_246], %parallel_loop3A_243 {strides = array<i32>} : memref<4096xf32, #tpu.memory_space<vmem>>, vector<16xf32>,
      } {sc.loop_unroll_factor = 8 : i64, sc.parallel_access}
      %dma_start3A_190 = arith.constant 4096 : i32
      %dma_start3A_191 = tpu.memref_slice %arg4[%while3A_159, %dma_start3A_190] : memref<832x16384xf32, #tpu.memory_space<hbm>> -> memref<1x4096xf32, #tpu.memory_space<hbm>>
      %dma_start3A_192 = tpu.memref_squeeze %dma_start3A_191 : memref<1x4096xf32, #tpu.memory_space<hbm>> -> memref<4096xf32, #tpu.memory_space<hbm>>
      %dma_start3A_193 = arith.constant 4096 : i32
      %dma_start3A_194 = tpu.memref_slice %arg4[%while3A_159, %dma_start3A_193] : memref<832x16384xf32, #tpu.memory_space<hbm>> -> memref<1x4096xf32, #tpu.memory_space<hbm>>
      %dma_start3A_195 = tpu.memref_squeeze %dma_start3A_194 : memref<1x4096xf32, #tpu.memory_space<hbm>> -> memref<4096xf32, #tpu.memory_space<hbm>>
      tpu.enqueue_dma source(%arg8 : memref<4096xf32, #tpu.memory_space<vmem>>) target(%dma_start3A_195 : memref<4096xf32, #tpu.memory_space<hbm>>) target_semaphore(%arg11 : memref<!tpu.dma_semaphore, #tpu.memory_space<semaphore_mem>>)
      %dma_wait3A_196 = arith.constant 8192 : i32
      %dma_wait3A_197 = tpu.memref_slice %arg4[%while3A_159, %dma_wait3A_196] : memref<832x16384xf32, #tpu.memory_space<hbm>> -> memref<1x4096xf32, #tpu.memory_space<hbm>>
      %dma_wait3A_198 = tpu.memref_squeeze %dma_wait3A_197 : memref<1x4096xf32, #tpu.memory_space<hbm>> -> memref<4096xf32, #tpu.memory_space<hbm>>
      %dma_wait3A_199 = arith.constant 8192 : i32
      %dma_wait3A_200 = tpu.memref_slice %arg4[%while3A_159, %dma_wait3A_199] : memref<832x16384xf32, #tpu.memory_space<hbm>> -> memref<1x4096xf32, #tpu.memory_space<hbm>>
      %dma_wait3A_201 = tpu.memref_squeeze %dma_wait3A_200 : memref<1x4096xf32, #tpu.memory_space<hbm>> -> memref<4096xf32, #tpu.memory_space<hbm>>
      tpu.wait_dma2 semaphore(%arg10 : memref<!tpu.dma_semaphore, #tpu.memory_space<semaphore_mem>>) src(%arg7 : memref<4096xf32, #tpu.memory_space<vmem>>) dst(%dma_wait3A_201 : memref<4096xf32, #tpu.memory_space<hbm>>)
      %parallel_loop3A_202 = arith.constant 0 : i32
      %parallel_loop3A_203 = arith.constant 256 : i32
      %parallel_loop3A_204 = arith.constant 1 : i32
      scf.for %parallel_loop3A_236 = %parallel_loop3A_202 to %parallel_loop3A_203 step %parallel_loop3A_204  : i32 {
        %parallel_loop3A_237 = arith.constant 16 : i32
        %parallel_loop3A_238 = arith.muli %parallel_loop3A_236, %parallel_loop3A_237 : i32
        %parallel_loop3A_239 = arith.constant 8192 : i32
        %parallel_loop3A_240 = arith.addi %parallel_loop3A_239, %parallel_loop3A_238 : i32
        %parallel_loop3A_241 = arith.index_cast %parallel_loop3A_240 : i32 to index
        %parallel_loop3A_242 = tpu.vector_load %arg6[%parallel_loop3A_241] {strides = array<i32>} : memref<16384xi32, #tpu.memory_space<vmem>>, vector<16xi32>,
        %parallel_loop3A_243 = tpu.vector_load_idx %arg5[%parallel_loop3A_242] : memref<100000xf32, #tpu.memory_space<vmem>>[vector<16xi32>], vector<16xf32>,
        %parallel_loop3A_244 = arith.constant 16 : i32
        %parallel_loop3A_245 = arith.muli %parallel_loop3A_236, %parallel_loop3A_244 : i32
        %parallel_loop3A_246 = arith.index_cast %parallel_loop3A_245 : i32 to index
        %parallel_loop3A_247 = tpu.vector_load %arg7[%parallel_loop3A_246] {strides = array<i32>} : memref<4096xf32, #tpu.memory_space<vmem>>, vector<16xf32>,
        tpu.vector_store %arg7[%parallel_loop3A_246], %parallel_loop3A_243 {strides = array<i32>} : memref<4096xf32, #tpu.memory_space<vmem>>, vector<16xf32>,
      } {sc.loop_unroll_factor = 8 : i64, sc.parallel_access}
      %dma_start3A_205 = arith.constant 8192 : i32
      %dma_start3A_206 = tpu.memref_slice %arg4[%while3A_159, %dma_start3A_205] : memref<832x16384xf32, #tpu.memory_space<hbm>> -> memref<1x4096xf32, #tpu.memory_space<hbm>>
      %dma_start3A_207 = tpu.memref_squeeze %dma_start3A_206 : memref<1x4096xf32, #tpu.memory_space<hbm>> -> memref<4096xf32, #tpu.memory_space<hbm>>
      %dma_start3A_208 = arith.constant 8192 : i32
      %dma_start3A_209 = tpu.memref_slice %arg4[%while3A_159, %dma_start3A_208] : memref<832x16384xf32, #tpu.memory_space<hbm>> -> memref<1x4096xf32, #tpu.memory_space<hbm>>
      %dma_start3A_210 = tpu.memref_squeeze %dma_start3A_209 : memref<1x4096xf32, #tpu.memory_space<hbm>> -> memref<4096xf32, #tpu.memory_space<hbm>>
      tpu.enqueue_dma source(%arg7 : memref<4096xf32, #tpu.memory_space<vmem>>) target(%dma_start3A_210 : memref<4096xf32, #tpu.memory_space<hbm>>) target_semaphore(%arg10 : memref<!tpu.dma_semaphore, #tpu.memory_space<semaphore_mem>>)
      %dma_wait3A_211 = arith.constant 12288 : i32
      %dma_wait3A_212 = tpu.memref_slice %arg4[%while3A_159, %dma_wait3A_211] : memref<832x16384xf32, #tpu.memory_space<hbm>> -> memref<1x4096xf32, #tpu.memory_space<hbm>>
      %dma_wait3A_213 = tpu.memref_squeeze %dma_wait3A_212 : memref<1x4096xf32, #tpu.memory_space<hbm>> -> memref<4096xf32, #tpu.memory_space<hbm>>
      %dma_wait3A_214 = arith.constant 12288 : i32
      %dma_wait3A_215 = tpu.memref_slice %arg4[%while3A_159, %dma_wait3A_214] : memref<832x16384xf32, #tpu.memory_space<hbm>> -> memref<1x4096xf32, #tpu.memory_space<hbm>>
      %dma_wait3A_216 = tpu.memref_squeeze %dma_wait3A_215 : memref<1x4096xf32, #tpu.memory_space<hbm>> -> memref<4096xf32, #tpu.memory_space<hbm>>
      tpu.wait_dma2 semaphore(%arg11 : memref<!tpu.dma_semaphore, #tpu.memory_space<semaphore_mem>>) src(%arg8 : memref<4096xf32, #tpu.memory_space<vmem>>) dst(%dma_wait3A_216 : memref<4096xf32, #tpu.memory_space<hbm>>)
      %parallel_loop3A_217 = arith.constant 0 : i32
      %parallel_loop3A_218 = arith.constant 256 : i32
      %parallel_loop3A_219 = arith.constant 1 : i32
      scf.for %parallel_loop3A_236 = %parallel_loop3A_217 to %parallel_loop3A_218 step %parallel_loop3A_219  : i32 {
        %parallel_loop3A_237 = arith.constant 16 : i32
        %parallel_loop3A_238 = arith.muli %parallel_loop3A_236, %parallel_loop3A_237 : i32
        %parallel_loop3A_239 = arith.constant 12288 : i32
        %parallel_loop3A_240 = arith.addi %parallel_loop3A_239, %parallel_loop3A_238 : i32
        %parallel_loop3A_241 = arith.index_cast %parallel_loop3A_240 : i32 to index
        %parallel_loop3A_242 = tpu.vector_load %arg6[%parallel_loop3A_241] {strides = array<i32>} : memref<16384xi32, #tpu.memory_space<vmem>>, vector<16xi32>,
        %parallel_loop3A_243 = tpu.vector_load_idx %arg5[%parallel_loop3A_242] : memref<100000xf32, #tpu.memory_space<vmem>>[vector<16xi32>], vector<16xf32>,
        %parallel_loop3A_244 = arith.constant 16 : i32
        %parallel_loop3A_245 = arith.muli %parallel_loop3A_236, %parallel_loop3A_244 : i32
        %parallel_loop3A_246 = arith.index_cast %parallel_loop3A_245 : i32 to index
        %parallel_loop3A_247 = tpu.vector_load %arg8[%parallel_loop3A_246] {strides = array<i32>} : memref<4096xf32, #tpu.memory_space<vmem>>, vector<16xf32>,
        tpu.vector_store %arg8[%parallel_loop3A_246], %parallel_loop3A_243 {strides = array<i32>} : memref<4096xf32, #tpu.memory_space<vmem>>, vector<16xf32>,
      } {sc.loop_unroll_factor = 8 : i64, sc.parallel_access}
      %dma_start3A_220 = arith.constant 12288 : i32
      %dma_start3A_221 = tpu.memref_slice %arg4[%while3A_159, %dma_start3A_220] : memref<832x16384xf32, #tpu.memory_space<hbm>> -> memref<1x4096xf32, #tpu.memory_space<hbm>>
      %dma_start3A_222 = tpu.memref_squeeze %dma_start3A_221 : memref<1x4096xf32, #tpu.memory_space<hbm>> -> memref<4096xf32, #tpu.memory_space<hbm>>
      %dma_start3A_223 = arith.constant 12288 : i32
      %dma_start3A_224 = tpu.memref_slice %arg4[%while3A_159, %dma_start3A_223] : memref<832x16384xf32, #tpu.memory_space<hbm>> -> memref<1x4096xf32, #tpu.memory_space<hbm>>
      %dma_start3A_225 = tpu.memref_squeeze %dma_start3A_224 : memref<1x4096xf32, #tpu.memory_space<hbm>> -> memref<4096xf32, #tpu.memory_space<hbm>>
      tpu.enqueue_dma source(%arg8 : memref<4096xf32, #tpu.memory_space<vmem>>) target(%dma_start3A_225 : memref<4096xf32, #tpu.memory_space<hbm>>) target_semaphore(%arg11 : memref<!tpu.dma_semaphore, #tpu.memory_space<semaphore_mem>>)
      %add3A_226 = arith.constant 1 : i32
      %add3A_227 = arith.addi %while3A_159, %add3A_226 : i32
      %min3A_228 = arith.constant 831 : i32
      %min3A_229 = arith.minsi %add3A_227, %min3A_228 : i32
      %dma_start3A_230 = arith.constant 0 : i32
      %dma_start3A_231 = tpu.memref_slice %arg2[%min3A_229, %dma_start3A_230] : memref<832x100000xf32, #tpu.memory_space<hbm>> -> memref<1x100000xf32, #tpu.memory_space<hbm>>
      %dma_start3A_232 = tpu.memref_squeeze %dma_start3A_231 : memref<1x100000xf32, #tpu.memory_space<hbm>> -> memref<100000xf32, #tpu.memory_space<hbm>>
      %dma_start3A_233 = arith.constant 0 : i32
      %dma_start3A_234 = tpu.memref_slice %arg2[%min3A_229, %dma_start3A_233] : memref<832x100000xf32, #tpu.memory_space<hbm>> -> memref<1x100000xf32, #tpu.memory_space<hbm>>
      %dma_start3A_235 = tpu.memref_squeeze %dma_start3A_234 : memref<1x100000xf32, #tpu.memory_space<hbm>> -> memref<100000xf32, #tpu.memory_space<hbm>>
      tpu.enqueue_dma source(%dma_start3A_235 : memref<100000xf32, #tpu.memory_space<hbm>>) target(%arg5 : memref<100000xf32, #tpu.memory_space<vmem>>) target_semaphore(%arg9 : memref<!tpu.dma_semaphore, #tpu.memory_space<semaphore_mem>>)
    }
    %dma_wait3A_141 = arith.constant 0 : i32
    %dma_wait3A_142 = tpu.memref_slice %arg2[%mul3A_2, %dma_wait3A_141] : memref<832x100000xf32, #tpu.memory_space<hbm>> -> memref<1x100000xf32, #tpu.memory_space<hbm>>
    %dma_wait3A_143 = tpu.memref_squeeze %dma_wait3A_142 : memref<1x100000xf32, #tpu.memory_space<hbm>> -> memref<100000xf32, #tpu.memory_space<hbm>>
    %dma_wait3A_144 = arith.constant 0 : i32
    %dma_wait3A_145 = tpu.memref_slice %arg2[%mul3A_2, %dma_wait3A_144] : memref<832x100000xf32, #tpu.memory_space<hbm>> -> memref<1x100000xf32, #tpu.memory_space<hbm>>
    %dma_wait3A_146 = tpu.memref_squeeze %dma_wait3A_145 : memref<1x100000xf32, #tpu.memory_space<hbm>> -> memref<100000xf32, #tpu.memory_space<hbm>>
    tpu.wait_dma2 semaphore(%arg9 : memref<!tpu.dma_semaphore, #tpu.memory_space<semaphore_mem>>) src(%dma_wait3A_146 : memref<100000xf32, #tpu.memory_space<hbm>>) dst(%arg5 : memref<100000xf32, #tpu.memory_space<vmem>>)
    %dma_wait3A_147 = arith.constant 0 : i32
    %dma_wait3A_148 = tpu.memref_slice %arg4[%mul3A_2, %dma_wait3A_147] : memref<832x16384xf32, #tpu.memory_space<hbm>> -> memref<1x4096xf32, #tpu.memory_space<hbm>>
    %dma_wait3A_149 = tpu.memref_squeeze %dma_wait3A_148 : memref<1x4096xf32, #tpu.memory_space<hbm>> -> memref<4096xf32, #tpu.memory_space<hbm>>
    %dma_wait3A_150 = arith.constant 0 : i32
    %dma_wait3A_151 = tpu.memref_slice %arg4[%mul3A_2, %dma_wait3A_150] : memref<832x16384xf32, #tpu.memory_space<hbm>> -> memref<1x4096xf32, #tpu.memory_space<hbm>>
    %dma_wait3A_152 = tpu.memref_squeeze %dma_wait3A_151 : memref<1x4096xf32, #tpu.memory_space<hbm>> -> memref<4096xf32, #tpu.memory_space<hbm>>
    tpu.wait_dma2 semaphore(%arg10 : memref<!tpu.dma_semaphore, #tpu.memory_space<semaphore_mem>>) src(%arg7 : memref<4096xf32, #tpu.memory_space<vmem>>) dst(%dma_wait3A_152 : memref<4096xf32, #tpu.memory_space<hbm>>)
    %dma_wait3A_153 = arith.constant 4096 : i32
    %dma_wait3A_154 = tpu.memref_slice %arg4[%mul3A_2, %dma_wait3A_153] : memref<832x16384xf32, #tpu.memory_space<hbm>> -> memref<1x4096xf32, #tpu.memory_space<hbm>>
    %dma_wait3A_155 = tpu.memref_squeeze %dma_wait3A_154 : memref<1x4096xf32, #tpu.memory_space<hbm>> -> memref<4096xf32, #tpu.memory_space<hbm>>
    %dma_wait3A_156 = arith.constant 4096 : i32
    %dma_wait3A_157 = tpu.memref_slice %arg4[%mul3A_2, %dma_wait3A_156] : memref<832x16384xf32, #tpu.memory_space<hbm>> -> memref<1x4096xf32, #tpu.memory_space<hbm>>
    %dma_wait3A_158 = tpu.memref_squeeze %dma_wait3A_157 : memref<1x4096xf32, #tpu.memory_space<hbm>> -> memref<4096xf32, #tpu.memory_space<hbm>>
    tpu.wait_dma2 semaphore(%arg11 : memref<!tpu.dma_semaphore, #tpu.memory_space<semaphore_mem>>) src(%arg8 : memref<4096xf32, #tpu.memory_space<vmem>>) dst(%dma_wait3A_158 : memref<4096xf32, #tpu.memory_space<hbm>>)
    return
  }
}

</mosaic_0001>

<sc_bundles>
// kernel: kernel.3.cloned.1.call-start
scs
__scs_entry_jumppad:
0x0: {  	(pc) =	sbr.rel $0x88, $3  }
0x1: {  	(tag) =	ssettag $0x0;
	lr =	simm.s32 $0x1  }
0x2: {  	[smem:$0x3F9E] =	sst lr;
	_ =	strace $0xD0000000  }
0x3: {  	_ = 	snop  }
0x4: {  	_ = 	snop  }
0x5: {  	_ = 	snop  }
0x6: {  	_ = 	snop  }
0x7: {  	_ = 	snop  }
__scs_overlays_trampoline_lowered:
0x8: {  	[smem:$0x3FAD] =	sst s0  }
0x9: {  	[smem:$0x3FAE] =	sst s1  }
0xa: {  	[smem:$0x3FAF] =	sst s2  }
0xb: {  	[smem:$0x3FB0] =	sst s3  }
0xc: {  	[smem:$0x3FB1] =	sst s4  }
0xd: {  	[smem:$0x3FB2] =	sst s5  }
0xe: {  	[smem:$0x3FB3] =	sst s6  }
0xf: {  	[smem:$0x3FB4] =	sst s7  }
0x10: {  	[smem:$0x3FB5] =	sst s8  }
0x11: {  	[smem:$0x3FB6] =	sst s9;
	s0 =	simm.s32 @!p0 $0x0  }
0x12: {  	s1 =	sld [smem:$0x3F9C];
	s0 =	simm.s32 @p0 $0x1  }
0x13: {  	[smem:$0x3FB7] =	sst s0;
	s0 =	simm.s32 @!p1 $0x0  }
0x14: {  	s2 =	sld [smem:$0x3F9B];
	s0 =	simm.s32 @p1 $0x1  }
0x15: {  	[smem:$0x3FB8] =	sst s0;
	s0 =	simm.s32 @!p2 $0x0  }
0x16: {  	s3 =	sld [smem:$0x3FDB];
	s0 =	simm.s32 @p2 $0x1  }
0x17: {  	s4 =	simm.s32 $0x1BF5;
	[smem:$0x3FBA] =	sst s0  }
0x18: {  	s0 =	sld [smem:$0x3F9D];
	_ =	swait.ge [sflag:s4], $0x0  }
0x19: {  	s7 =	sld [smem:$0x3F9E]  }
0x1a: {  	s8 =	sadd.s32 $0xFFFFE003, lr  }
0x1b: {  	s9 =	sadd.s32 $0xFFFFFEF7, lr;
	s5 =	simm.s32 $0xFFFFFFFF;
	p2 =	slt.u32 s8, $0xFFFFF086  }
0x1c: {  	p1 =	slt.u32 s9, $0xF7A;
	s5 =	simm.s32 @!p2 $0x0  }
0x1d: {  	s5 =	simm.s32 @p1 $0x1;
	p0 =	seq.s32 s7, s2  }
0x1e: {  	s7 =	smul.u32 @!p0 $0xF7A, s2;
	p2 =	seq.s32 @!p0 s5, $0x0  }
0x1f: {  	s9 =	smul.u32 $0xF7A, s1;
	s8 =	simm.s32 @!p0 $0x1BF5;
	p2 =	por !p2, p0  }
0x20: {  	[sflag:s8] =	ssyncset.s32 @!p0 $0xFFFFF086;
	s6 =	sadd.s32 @!p0 s3, s7;
	s7 =	simm.s32 @!p0 $0x108  }
0x21: {  	s3 =	sadd.s32 s3, s9;
	s6 =	sadd.s32 @!p0 $0x88, s6;
	s7 =	simm.s32 @p2 $0x1082  }
0x22: {  	[simem:s7], [sflag:s8] =	dma.local @!p0 [hbm:s6], $0xF7A  }
0x23: {  	s9 =	sor.u32 $0xD0000000, s2;
	s6 =	simm.s32 $0x108;
	_ =	swait.ge @!p0 [sflag:s8], $0x0  }
0x24: {  	s3 =	sadd.s32 $0x88, s3;
	s6 =	simm.s32 @!p1 $0x1082;
	[sflag:s4] =	ssyncset.s32 $0xFFFFF086  }
0x25: {  	[simem:s6], [sflag:s4] =	dma.local [hbm:s3], $0xF7A  }
0x26: {  	[smem:$0x3F9E] =	sst s1;
	(tag) =	ssettag s2;
	_ =	strace s9  }
0x27: {  	s1 =	sld [smem:$0x3FAE]  }
0x28: {  	s2 =	sld [smem:$0x3FAF]  }
0x29: {  	s4 =	sld [smem:$0x3FB1]  }
0x2a: {  	p0 =	seq.s32 s5, $0x0;
	s5 =	sld [smem:$0x3FB2]  }
0x2b: {  	s6 =	sld [smem:$0x3FB3]  }
0x2c: {  	s7 =	sld [smem:$0x3FB4]  }
0x2d: {  	s3 =	simm.s32 $0x108;
	s8 =	sld [smem:$0x3FB5]  }
0x2e: {  	s3 =	simm.s32 @!p0 $0x1082;
	s9 =	sld [smem:$0x3FB6]  }
0x2f: {  	lr =	sadd.s32 s0, s3;
	s0 =	sld [smem:$0x3FAD]  }
0x30: {  	s3 =	sld [smem:$0x3FB0]  }
0x31: {  	[smem:$0x3FB9] =	sst s10  }
0x32: {  	s10 =	sld [smem:$0x3FB7];
	_ =	sdelay $0x3  }
0x33: {  	p0 =	seq.s32 s10, $0x1;
	s10 =	sld [smem:$0x3FB9];
	_ =	sdelay $0x3  }
0x34: {  	[smem:$0x3FB9] =	sst s10  }
0x35: {  	s10 =	sld [smem:$0x3FB8];
	_ =	sdelay $0x3  }
0x36: {  	p1 =	seq.s32 s10, $0x1;
	s10 =	sld [smem:$0x3FB9];
	_ =	sdelay $0x3  }
0x37: {  	[smem:$0x3FB9] =	sst s10  }
0x38: {  	s10 =	sld [smem:$0x3FBA]  }
0x39: {  	_ = 	snop;
	(pc) =	sbr.ind lr, $3  }
0x3a: {  	_ = 	snop  }
0x3b: {  	_ = 	snop  }
0x3c: {  	p2 =	seq.s32 s10, $0x1;
	s10 =	sld [smem:$0x3FB9]  }
0x3d: {  	_ =	shalt  }
0x3e: {  	_ =	shalt  }
0x3f: {  	_ =	shalt  }
0x40: {  	_ =	shalt  }
0x41: {  	_ =	shalt  }
0x42: {  	_ =	shalt  }
0x43: {  	_ =	shalt  }
0x44: {  	_ =	shalt  }
0x45: {  	_ =	shalt  }
0x46: {  	_ =	shalt  }
0x47: {  	_ =	shalt  }
0x48: {  	_ =	shalt  }
0x49: {  	_ =	shalt  }
0x4a: {  	_ =	shalt  }
0x4b: {  	_ =	shalt  }
0x4c: {  	_ =	shalt  }
0x4d: {  	_ =	shalt  }
0x4e: {  	_ =	shalt  }
0x4f: {  	_ =	shalt  }
0x50: {  	_ =	shalt  }
0x51: {  	_ =	shalt  }
0x52: {  	_ =	shalt  }
0x53: {  	_ =	shalt  }
0x54: {  	_ =	shalt  }
0x55: {  	_ =	shalt  }
0x56: {  	_ =	shalt  }
0x57: {  	_ =	shalt  }
0x58: {  	_ =	shalt  }
0x59: {  	_ =	shalt  }
0x5a: {  	_ =	shalt  }
0x5b: {  	_ =	shalt  }
0x5c: {  	_ =	shalt  }
0x5d: {  	_ =	shalt  }
0x5e: {  	_ =	shalt  }
0x5f: {  	_ =	shalt  }
0x60: {  	_ =	shalt  }
0x61: {  	_ =	shalt  }
0x62: {  	_ =	shalt  }
0x63: {  	_ =	shalt  }
0x64: {  	_ =	shalt  }
0x65: {  	_ =	shalt  }
0x66: {  	_ =	shalt  }
0x67: {  	_ =	shalt  }
0x68: {  	_ =	shalt  }
0x69: {  	_ =	shalt  }
0x6a: {  	_ =	shalt  }
0x6b: {  	_ =	shalt  }
0x6c: {  	_ =	shalt  }
0x6d: {  	_ =	shalt  }
0x6e: {  	_ =	shalt  }
0x6f: {  	_ =	shalt  }
0x70: {  	_ =	shalt  }
0x71: {  	_ =	shalt  }
0x72: {  	_ =	shalt  }
0x73: {  	_ =	shalt  }
0x74: {  	_ =	shalt  }
0x75: {  	_ =	shalt  }
0x76: {  	_ =	shalt  }
0x77: {  	_ =	shalt  }
0x78: {  	_ =	shalt  }
0x79: {  	_ =	shalt  }
0x7a: {  	_ =	shalt  }
0x7b: {  	_ =	shalt  }
0x7c: {  	_ =	shalt  }
0x7d: {  	_ =	shalt  }
0x7e: {  	_ =	shalt  }
0x7f: {  	_ =	shalt  }
0x80: {  	_ =	shalt  }
0x81: {  	_ =	shalt  }
0x82: {  	_ =	shalt  }
0x83: {  	_ =	shalt  }
0x84: {  	_ =	shalt  }
0x85: {  	_ =	shalt  }
0x86: {  	_ =	shalt  }
0x87: {  	_ =	shalt  }
.Lfunc_end0:
.L_simem_size_0:
called_computation_lowered:
.L_overlay_start_0:
0x88: {  	s2 =	sld [smem:$0x3FD9]  }
0x89: {  	s3 =	sld [smem:$0x3FFE];
	_ =	sdelay $0x1  }
0x8a: {  	s1 =	srdreg.scid  }
0x8b: {  	s0 =	sand.u32 $0x1, s1  }
0x8c: {  	s15 =	sshll.u32 s0, $0xA;
	s2 =	sadd.s32 s3, s2  }
0x8d: {  	s2 =	sadd.s32 s2, s15  }
0x8e: {  	[smem:$0x3FC5] =	sst s2  }
0x8f: {  	_ = 	snop  }
0x90: {  	s2 =	sld [smem:$0x3FD0];
	_ =	sdelay $0x1  }
0x91: {  	s16 =	sld [smem:$0x3FC8]  }
0x92: {  	s5 =	simm.s32 $0xA;
	s6 =	simm.s32 $0x10;
	s4 =	sld [smem:$0x3FC7]  }
0x93: {  	[smem:s6], [sflag:s5] =	dma.local [hbm:s2], $0x1  }
0x94: {  	_ =	swait.eq [sflag:s5], $0x1  }
0x95: {  	[sflag:s5] =	ssyncset.done $0x0  }
0x96: {  	[sflag:s5] =	ssyncadd.s32 $0xFFFFFFFF  }
0x97: {  	s17 =	sld [smem:$0x11];
	(tm) =	ssettm $0x1  }
0x98: {  	s18 =	sld [smem:$0x3FFB];
	_ =	sdelay $0x3  }
0x99: {  	_ =	strace s18  }
0x9a: {  	s5 =	sld [smem:$0x3FFC];
	_ =	sdelay $0x3  }
0x9b: {  	_ =	strace s5  }
0x9c: {  	s5 =	sld [smem:$0x3FFD];
	_ =	sdelay $0x3  }
0x9d: {  	_ =	strace s5  }
0x9e: {  	_ =	strace $0x8FFFFFFF  }
0x9f: {  	s19 =	sld [smem:$0x3FDB];
	_ =	sdelay $0x1  }
0xa0: {  	s20 =	simm.s32 $_scs_section_size  }
0xa1: {  	s7 =	simm.s32 $_size__tile_overlayer_lowered;
	s8 =	simm.s32 $_tile_overlayer_lowered  }
0xa2: {  	s23 =	simm.s32 $0x1BFF;
	s22 =	sshll.u32 s8, $0x1;
	s5 =	sadd.s32 s20, s19  }
0xa3: {  	s9 =	simm.s32 $0x0;
	s21 =	sshll.u32 s7, $0x1;
	s7 =	sadd.s32 s22, s5  }
0xa4: {  	[timem:s9], [sflag:s23] =	dma.local [hbm:s7], s21  }
0xa5: {  	_ =	swait.ge [sflag:s23], s21  }
0xa6: {  	s6 =	ssub.s32 $0x0, s21;
	[sflag:s23] =	ssyncset.done $0x0  }
0xa7: {  	[sflag:s23] =	ssyncadd.s32 s6;
	_ =	sdelay $0x1  }
0xa8: {  	s24 =	simm.s32 $0x1B8B  }
0xa9: {  	_ =	swait.ge [sflag:s24], $0x1  }
0xaa: {  	[sflag:s24] =	ssyncset.done $0x0  }
0xab: {  	s25 =	simm.s32 $0x1B8E;
	[sflag:s24] =	ssyncadd.s32 $0xFFFFFFFF  }
0xac: {  	s26 =	simm.s32 $execute0_lowered;
	[smem:$0x3FD2] =	sst s25  }
0xad: {  	s6 =	sshll.u32 s26, $0x1;
	_ =	strace $0x80000046;
	[dreg:$0x1] =	wrdreg $0xFFFFFFFF  }
0xae: {  	s28 =	simm.s32 $_size_execute0_lowered;
	s5 =	sadd.s32 s5, s6;
	[dreg:$0x0] =	wrdreg $0x0  }
0xaf: {  	s6 =	sshll.u32 s28, $0x1;
	[dreg:$0x2] =	wrdreg s5  }
0xb0: {  	[dreg:$0x3] =	wrdreg s6  }
0xb1: {  	[dreg:$0x4] =	wrdreg $0xC0  }
0xb2: {  	_ =	task [dreg:s9], $0x5FFFF  }
0xb3: {  	[dreg:$0x1] =	wrdreg $0xFFFFFFFF  }
0xb4: {  	[dreg:$0x0] =	wrdreg $0x60  }
0xb5: {  	[dreg:$0x2] =	wrdreg s4  }
0xb6: {  	[dreg:$0x3] =	wrdreg s16  }
0xb7: {  	[dreg:$0x4] =	wrdreg s17  }
0xb8: {  	[dreg:$0x5] =	wrdreg $0x9  }
0xb9: {  	_ =	task.clear_ibuf [dreg:s9], $0x6FFFF;
	_ =	strace $0x90000046  }
0xba: {  	s29 =	simm.s32 $0x9;
	_ =	strace $0x80000048  }
0xbb: {  	_ =	swait.ge [sflag:s29], $0x1  }
0xbc: {  	[sflag:s29] =	ssyncadd.s32 $0xFFFFFFFF  }
0xbd: {  	_ =	strace $0x90000048  }
0xbe: {  	_ =	sfence  }
0xbf: {  	s30 =	sld [smem:$0x0];
	_ =	sdelay $0x2  }
0xc0: {  	s31 =	sshll.u32 s1, $0xD;
	s1 =	sshrl.u32 s1, $0x2  }
0xc1: {  	s3 =	sand.u32 $0x4000, s31;
	s1 =	sadd.s32 s1, s30  }
0xc2: {  	s0 =	sor.u32 s3, s0;
	s1 =	sshll.u32 s1, $0x11  }
0xc3: {  	s0 =	sor.u32 s1, s0  }
0xc4: {  	s0 =	sadd.s32 $0x8F2B, s0  }
0xc5: {  	[sflag:s0] =	ssyncadd.remote.s32 $0x1  }
0xc6: {  	_ =	sfence.sel $0xFFFF  }
0xc7: {  	[dreg:$0x0] =	wrdreg $0xFFFFFFFF;
	(pc) =	sbr.abs _section_cstart, $3  }
0xc8: {  	[dreg:$0x1] =	wrdreg $0xFFFFFFFF  }
0xc9: {  	_ =	task.clear_ibuf [dreg:s9], $0x2FFFF;
	_ =	strace $0x9FFFFFFF  }
0xca: {  	(tm) =	ssettm $0x7FFFFFFF  }
0xcb: {  	_ =	shalt  }
tec
execute0_lowered:
.L_overlay_start_1:
0x0: {  	(tag) =	ssettag $0x1  }
0x1: {  	s1 =	rddreg [dreg:$0x0]  }
0x2: {  	s0 =	srdreg.scid;
	s3 =	stileid.u32  }
0x3: {  	s2 =	rddreg [dreg:$0x1];
	s20 =	simm.s32 $0x80;
	s28 =	simm.s32 $0x2  }
0x4: {  	s29 =	simm.s32 $0x3;
	s0 =	sand.u32 $0x1, s0;
	s4 =	sshll.u32 s3, $0x1  }
0x5: {  	s30 =	simm.s32 $0x0;
	s3 =	rddreg [dreg:$0x2];
	s5 =	sor.u32 s0, s4  }
0x6: {  	s4 =	simm.s32 $0x0;
	s0 =	ssub.s32 $0x2, s0;
	s15 =	sadd.s32 $0x3000, s3  }
0x7: {  	s7 =	smul.u32 $0x1A, s5;
	[smem:$0x7FF] =	sst s4;
	s6 =	sshrl.u32 s0, $0x1  }
0x8: {  	s5 =	sshll.u32 s5, $0x8;
	_ =	strace $0x80000047;
	s0 =	ssub.s32 s0, s6  }
0x9: {  	s10 =	sand.u32 $0x300, s5;
	s8 =	sshrl.u32 s7, $0x3;
	s21 =	sand.u32 $0x3E0, s7  }
0xa: {  	s5 =	sadd.s32 $0x1A, s7;
	s17 =	sadd.s32 $0x18, s7;
	s22 =	sshrl.u32 s7, $0x1  }
0xb: {  	s12 =	sshll.u32 s7, $0x6;
	s13 =	sor.u32 $0x1, s7;
	s19 =	smax.u32 s0, $0x1  }
0xc: {  	s9 =	smul.u32 $0xC3800, s8;
	s25 =	sadd.s32 $0x20, s21;
	s8 =	sshll.u32 s8, $0x11  }
0xd: {  	s23 =	sand.u32 $0xC000, s12;
	s12 =	sadd.s32 $0x2000, s3;
	s7 =	sshll.u32 s13, $0x7  }
0xe: {  	s26 =	sshrl.u32 s17, $0x1;
	s31 =	sshll.u32 s17, $0x6;
	s21 =	simm.s32 $0x400  }
0xf: {  	s6 =	smin.u32 s25, s5;
	s8 =	sor.u32 s10, s8;
	s7 =	sand.u32 $0x380, s7  }
0x10: {  	p0 =	sge.u32 s25, s5;
	s25 =	simm.s32 $0x1C700;
	s11 =	sor.u32 s10, s9  }
0x11: {  	s8 =	sshrl.u32 s8, $0x3;
	s7 =	sor.u32 s7, s9;
	s11 =	sshrl.u32 s11, $0x3  }
0x12: {  	s9 =	sand.u32 $0x1C000, s31;
	p1 =	sge.u32 s13, s6;
	s11 =	sadd.s32 s1, s11  }
0x13: {  	s24 =	sadd.s32 s3, s8;
	[dreg:$0x4] =	wrdreg s11;
	s11 =	sand.u32 $0x70, s22  }
0x14: {  	s14 =	sadd.s32 s8, s12;
	s16 =	sadd.s32 s8, s15;
	s11 =	sadd.s32 s2, s11  }
.Ltmp0:
0x15: {  	[dreg:$0x6] =	wrdreg s24;
	s10 =	sadd.s32 s23, s11;
	(pc) =	sbr.rel .LBB2_1-.Ltmp0, $4  }
0x16: {  	s7 =	sshrl.u32 s7, $0x3;
	[dreg:$0x5] =	wrdreg s10;
	s10 =	sadd.s32 $0x1000, s3  }
0x17: {  	s17 =	sadd.s32 s1, s7;
	s11 =	sadd.s32 s8, s10;
	s8 =	sand.u32 $0x70, s26  }
0x18: {  	s24 =	simm.s32 $0x1;
	s22 =	simm.s32 $0x18700;
	s2 =	sadd.s32 s2, s8  }
0x19: {  	s23 =	simm.s32 $0x4;
	s26 =	simm.s32 $0x1D700;
	s18 =	sadd.s32 s9, s2  }
.LBB2_29:
0x1a: {  	_ =	swait.ge [sflag:s24], $0x18700  }
0x1b: {  	[sflag:s24] =	ssyncset.done $0x0  }
0x1c: {  	s30 =	sadd.s32 $0x1, s30;
	[sflag:s24] =	ssyncadd.s32 $0xFFFE7900  }
0x1d: {  	p2 =	sne.s32 s30, s19;
	_ =	swait.ge [sflag:s28], $0x1000  }
.Ltmp1:
0x1e: {  	[sflag:s28] =	ssyncset.done $0x0;
	(pc) =	sbr.rel @!p2 .LBB2_30-.Ltmp1, $4  }
0x1f: {  	[sflag:s28] =	ssyncadd.s32 $0xFFFFF000  }
0x20: {  	_ =	swait.ge [sflag:s29], $0x1000  }
0x21: {  	[sflag:s29] =	ssyncset.done $0x0  }
0x22: {  	[sflag:s29] =	ssyncadd.s32 $0xFFFFF000  }
.LBB2_1:
0x23: {  	s0 =	rddreg [dreg:$0x4]  }
0x24: {  	[tilespmem:s4], [sflag:$0x1] =	stream.strided.gather [hbm4b:s0+s20], $0x18700, s21, s20, $0x38;
	[tilespmem:$0x1E700] =	vst v63  }
0x25: {  	s9 =	rddreg [dreg:$0x5]  }
0x26: {  	[tilespmem:s22], [sflag:$0x4] =	stream.strided.gather [hbm4b:s9+s20], $0x4000, s21, s20, $0x38;
	[tilespmem:$0x1E700] =	vst v63  }
0x27: {  	_ =	swait.ge [sflag:s23], $0x4000  }
0x28: {  	[sflag:s23] =	ssyncset.done $0x0  }
0x29: {  	[sflag:s23] =	ssyncadd.s32 $0xFFFFC000  }
0x2a: {  	_ =	swait.ge [sflag:s24], $0x18700  }
0x2b: {  	[sflag:s24] =	ssyncset.done $0x0  }
0x2c: {  	s31 =	simm.s32 $0x18740;
	[sflag:s24] =	ssyncadd.s32 $0xFFFE7900  }
0x2d: {  	v0 =	vld [tilespmem:s31+$0x30]  }
0x2e: {  	v1 =	vld [tilespmem:s31+$0xFFFFFFD0]  }
0x2f: {  	v2 =	vld [tilespmem:s31+$0xFFFFFFE0]  }
0x30: {  	v3 =	vld [tilespmem:s31+$0xFFFFFFF0]  }
0x31: {  	v4 =	vld [tilespmem:s31+$0x0]  }
0x32: {  	v6 =	vld [tilespmem:s31+$0x10]  }
0x33: {  	v7 =	vld [tilespmem:s31+$0x20]  }
0x34: {  	v8 =	vld [tilespmem:s31+$0xFFFFFFC0]  }
0x35: {  	v9 =	vld.idx.msk [tilespmem:v0+s4+$0x0], $0xffff  }
0x36: {  	v10 =	vld.idx.msk [tilespmem:v1+s4+$0x0], $0xffff  }
0x37: {  	v5 =	vld.idx.msk [tilespmem:v2+s4+$0x0], $0xffff  }
0x38: {  	v3 =	vld.idx.msk [tilespmem:v3+s4+$0x0], $0xffff  }
0x39: {  	v0 =	vld.idx.msk [tilespmem:v4+s4+$0x0], $0xffff  }
0x3a: {  	s0 =	simm.s32 $0x1C740;
	v1 =	vld.idx.msk [tilespmem:v6+s4+$0x0], $0xffff  }
0x3b: {  	v2 =	vld.idx.msk [tilespmem:v7+s4+$0x0], $0xffff;
	[tilespmem:s0+$0x30] =	vst v9  }
0x3c: {  	s2 =	simm.s32 $0x0;
	s7 =	simm.s32 $0x187C0;
	v4 =	vld.idx.msk [tilespmem:v8+s4+$0x0], $0xffff;
	[tilespmem:s0+$0xFFFFFFD0] =	vst v10  }
.LBB2_2:
0x3d: {  	v6 =	vld [tilespmem:s7+$0x30];
	s2 =	sadd.s32 $0x8, s2;
	[tilespmem:s0+$0xFFFFFFE0] =	vst v5  }
0x3e: {  	v5 =	vld [tilespmem:s7+$0xFFFFFFD0];
	p2 =	slt.u32 s2, $0xF8;
	[tilespmem:s0+$0xFFFFFFF0] =	vst v3  }
0x3f: {  	v3 =	vld [tilespmem:s7+$0xFFFFFFE0];
	[tilespmem:s0+$0x0] =	vst v0  }
0x40: {  	v0 =	vld [tilespmem:s7+$0xFFFFFFF0];
	[tilespmem:s0+$0x10] =	vst v1  }
0x41: {  	v1 =	vld [tilespmem:s7+$0x0];
	[tilespmem:s0+$0x20] =	vst v2  }
0x42: {  	v2 =	vld [tilespmem:s7+$0x10];
	[tilespmem:s0+$0xFFFFFFC0] =	vst v4  }
0x43: {  	v4 =	vld [tilespmem:s7+$0x20]  }
0x44: {  	v7 =	vld [tilespmem:s7+$0xFFFFFFC0]  }
0x45: {  	v6 =	vld.idx.msk [tilespmem:v6+s4+$0x0], $0xffff  }
0x46: {  	v8 =	vld.idx.msk [tilespmem:v5+s4+$0x0], $0xffff  }
0x47: {  	v5 =	vld.idx.msk [tilespmem:v3+s4+$0x0], $0xffff  }
.Ltmp2:
0x48: {  	v3 =	vld.idx.msk [tilespmem:v0+s4+$0x0], $0xffff;
	(pc) =	sbr.rel @p2 .LBB2_2-.Ltmp2, $4  }
0x49: {  	v0 =	vld.idx.msk [tilespmem:v1+s4+$0x0], $0xffff  }
0x4a: {  	s0 =	sadd.s32 $0x80, s0;
	v1 =	vld.idx.msk [tilespmem:v2+s4+$0x0], $0xffff  }
0x4b: {  	v2 =	vld.idx.msk [tilespmem:v4+s4+$0x0], $0xffff;
	[tilespmem:s0+$0x30] =	vst v6  }
0x4c: {  	s7 =	sadd.s32 $0x80, s7;
	v4 =	vld.idx.msk [tilespmem:v7+s4+$0x0], $0xffff;
	[tilespmem:s0+$0xFFFFFFD0] =	vst v8  }
0x4d: {  	[tilespmem:s0+$0xFFFFFFE0] =	vst v5  }
0x4e: {  	[tilespmem:s0+$0xFFFFFFF0] =	vst v3  }
0x4f: {  	[tilespmem:s0+$0x0] =	vst v0  }
0x50: {  	[tilespmem:s0+$0x10] =	vst v1  }
0x51: {  	[tilespmem:s0+$0x20] =	vst v2  }
0x52: {  	[tilespmem:s0+$0xFFFFFFC0] =	vst v4  }
0x53: {  	s31 =	simm.s32 $0x19770;
	s0 =	rddreg [dreg:$0x6]  }
0x54: {  	[hbm4b:s0+s20] =	stream.strided.scatter [tilespmem:s25], [sflag:$0x2], $0x1000, s21, s20, $0x38;
	[tilespmem:$0x1E700] =	vst v63  }
0x55: {  	v0 =	vld [tilespmem:s31+$0x0]  }
0x56: {  	v1 =	vld [tilespmem:s31+$0xFFFFFFA0]  }
0x57: {  	v2 =	vld [tilespmem:s31+$0xFFFFFFB0]  }
0x58: {  	v3 =	vld [tilespmem:s31+$0xFFFFFFC0]  }
0x59: {  	v4 =	vld [tilespmem:s31+$0xFFFFFFD0]  }
0x5a: {  	v6 =	vld [tilespmem:s31+$0xFFFFFFE0]  }
0x5b: {  	v7 =	vld [tilespmem:s31+$0xFFFFFFF0]  }
0x5c: {  	v8 =	vld [tilespmem:s31+$0xFFFFFF90]  }
0x5d: {  	v9 =	vld.idx.msk [tilespmem:v0+s4+$0x0], $0xffff  }
0x5e: {  	v10 =	vld.idx.msk [tilespmem:v1+s4+$0x0], $0xffff  }
0x5f: {  	v5 =	vld.idx.msk [tilespmem:v2+s4+$0x0], $0xffff  }
0x60: {  	v3 =	vld.idx.msk [tilespmem:v3+s4+$0x0], $0xffff  }
0x61: {  	v0 =	vld.idx.msk [tilespmem:v4+s4+$0x0], $0xffff  }
0x62: {  	s0 =	simm.s32 $0x1D740;
	v1 =	vld.idx.msk [tilespmem:v6+s4+$0x0], $0xffff  }
0x63: {  	v2 =	vld.idx.msk [tilespmem:v7+s4+$0x0], $0xffff;
	[tilespmem:s0+$0x30] =	vst v9  }
0x64: {  	s2 =	simm.s32 $0x0;
	s7 =	simm.s32 $0x197F0;
	v4 =	vld.idx.msk [tilespmem:v8+s4+$0x0], $0xffff;
	[tilespmem:s0+$0xFFFFFFD0] =	vst v10  }
.LBB2_4:
0x65: {  	v6 =	vld [tilespmem:s7+$0x0];
	s2 =	sadd.s32 $0x8, s2;
	[tilespmem:s0+$0xFFFFFFE0] =	vst v5  }
0x66: {  	v5 =	vld [tilespmem:s7+$0xFFFFFFA0];
	p2 =	slt.u32 s2, $0xF8;
	[tilespmem:s0+$0xFFFFFFF0] =	vst v3  }
0x67: {  	v3 =	vld [tilespmem:s7+$0xFFFFFFB0];
	[tilespmem:s0+$0x0] =	vst v0  }
0x68: {  	v0 =	vld [tilespmem:s7+$0xFFFFFFC0];
	[tilespmem:s0+$0x10] =	vst v1  }
0x69: {  	v1 =	vld [tilespmem:s7+$0xFFFFFFD0];
	[tilespmem:s0+$0x20] =	vst v2  }
0x6a: {  	v2 =	vld [tilespmem:s7+$0xFFFFFFE0];
	[tilespmem:s0+$0xFFFFFFC0] =	vst v4  }
0x6b: {  	v4 =	vld [tilespmem:s7+$0xFFFFFFF0]  }
0x6c: {  	v7 =	vld [tilespmem:s7+$0xFFFFFF90]  }
0x6d: {  	v6 =	vld.idx.msk [tilespmem:v6+s4+$0x0], $0xffff  }
0x6e: {  	v8 =	vld.idx.msk [tilespmem:v5+s4+$0x0], $0xffff  }
0x6f: {  	v5 =	vld.idx.msk [tilespmem:v3+s4+$0x0], $0xffff  }
.Ltmp3:
0x70: {  	v3 =	vld.idx.msk [tilespmem:v0+s4+$0x0], $0xffff;
	(pc) =	sbr.rel @p2 .LBB2_4-.Ltmp3, $4  }
0x71: {  	v0 =	vld.idx.msk [tilespmem:v1+s4+$0x0], $0xffff  }
0x72: {  	s0 =	sadd.s32 $0x80, s0;
	v1 =	vld.idx.msk [tilespmem:v2+s4+$0x0], $0xffff  }
0x73: {  	v2 =	vld.idx.msk [tilespmem:v4+s4+$0x0], $0xffff;
	[tilespmem:s0+$0x30] =	vst v6  }
0x74: {  	s7 =	sadd.s32 $0x80, s7;
	v4 =	vld.idx.msk [tilespmem:v7+s4+$0x0], $0xffff;
	[tilespmem:s0+$0xFFFFFFD0] =	vst v8  }
0x75: {  	[tilespmem:s0+$0xFFFFFFE0] =	vst v5  }
0x76: {  	[tilespmem:s0+$0xFFFFFFF0] =	vst v3  }
0x77: {  	[tilespmem:s0+$0x0] =	vst v0  }
0x78: {  	[tilespmem:s0+$0x10] =	vst v1  }
0x79: {  	[tilespmem:s0+$0x20] =	vst v2  }
0x7a: {  	[tilespmem:s0+$0xFFFFFFC0] =	vst v4  }
0x7b: {  	[hbm4b:s11+s20] =	stream.strided.scatter [tilespmem:s26], [sflag:$0x3], $0x1000, s21, s20, $0x38;
	[tilespmem:$0x1E700] =	vst v63  }
0x7c: {  	_ =	swait.ge [sflag:s28], $0x1000  }
0x7d: {  	[sflag:s28] =	ssyncset.done $0x0  }
0x7e: {  	s31 =	simm.s32 $0x1A770;
	[sflag:s28] =	ssyncadd.s32 $0xFFFFF000  }
0x7f: {  	v0 =	vld [tilespmem:s31+$0x0]  }
0x80: {  	v1 =	vld [tilespmem:s31+$0xFFFFFFA0]  }
0x81: {  	v2 =	vld [tilespmem:s31+$0xFFFFFFB0]  }
0x82: {  	v3 =	vld [tilespmem:s31+$0xFFFFFFC0]  }
0x83: {  	v4 =	vld [tilespmem:s31+$0xFFFFFFD0]  }
0x84: {  	v6 =	vld [tilespmem:s31+$0xFFFFFFE0]  }
0x85: {  	v7 =	vld [tilespmem:s31+$0xFFFFFFF0]  }
0x86: {  	v8 =	vld [tilespmem:s31+$0xFFFFFF90]  }
0x87: {  	v9 =	vld.idx.msk [tilespmem:v0+s4+$0x0], $0xffff  }
0x88: {  	v10 =	vld.idx.msk [tilespmem:v1+s4+$0x0], $0xffff  }
0x89: {  	v5 =	vld.idx.msk [tilespmem:v2+s4+$0x0], $0xffff  }
0x8a: {  	v3 =	vld.idx.msk [tilespmem:v3+s4+$0x0], $0xffff  }
0x8b: {  	v0 =	vld.idx.msk [tilespmem:v4+s4+$0x0], $0xffff  }
0x8c: {  	s0 =	simm.s32 $0x1C740;
	v1 =	vld.idx.msk [tilespmem:v6+s4+$0x0], $0xffff  }
0x8d: {  	v2 =	vld.idx.msk [tilespmem:v7+s4+$0x0], $0xffff;
	[tilespmem:s0+$0x30] =	vst v9  }
0x8e: {  	s2 =	simm.s32 $0x0;
	s7 =	simm.s32 $0x1A7F0;
	v4 =	vld.idx.msk [tilespmem:v8+s4+$0x0], $0xffff;
	[tilespmem:s0+$0xFFFFFFD0] =	vst v10  }
.LBB2_6:
0x8f: {  	v6 =	vld [tilespmem:s7+$0x0];
	s2 =	sadd.s32 $0x8, s2;
	[tilespmem:s0+$0xFFFFFFE0] =	vst v5  }
0x90: {  	v5 =	vld [tilespmem:s7+$0xFFFFFFA0];
	p2 =	slt.u32 s2, $0xF8;
	[tilespmem:s0+$0xFFFFFFF0] =	vst v3  }
0x91: {  	v3 =	vld [tilespmem:s7+$0xFFFFFFB0];
	[tilespmem:s0+$0x0] =	vst v0  }
0x92: {  	v0 =	vld [tilespmem:s7+$0xFFFFFFC0];
	[tilespmem:s0+$0x10] =	vst v1  }
0x93: {  	v1 =	vld [tilespmem:s7+$0xFFFFFFD0];
	[tilespmem:s0+$0x20] =	vst v2  }
0x94: {  	v2 =	vld [tilespmem:s7+$0xFFFFFFE0];
	[tilespmem:s0+$0xFFFFFFC0] =	vst v4  }
0x95: {  	v4 =	vld [tilespmem:s7+$0xFFFFFFF0]  }
0x96: {  	v7 =	vld [tilespmem:s7+$0xFFFFFF90]  }
0x97: {  	v6 =	vld.idx.msk [tilespmem:v6+s4+$0x0], $0xffff  }
0x98: {  	v8 =	vld.idx.msk [tilespmem:v5+s4+$0x0], $0xffff  }
0x99: {  	v5 =	vld.idx.msk [tilespmem:v3+s4+$0x0], $0xffff  }
.Ltmp4:
0x9a: {  	v3 =	vld.idx.msk [tilespmem:v0+s4+$0x0], $0xffff;
	(pc) =	sbr.rel @p2 .LBB2_6-.Ltmp4, $4  }
0x9b: {  	v0 =	vld.idx.msk [tilespmem:v1+s4+$0x0], $0xffff  }
0x9c: {  	s0 =	sadd.s32 $0x80, s0;
	v1 =	vld.idx.msk [tilespmem:v2+s4+$0x0], $0xffff  }
0x9d: {  	v2 =	vld.idx.msk [tilespmem:v4+s4+$0x0], $0xffff;
	[tilespmem:s0+$0x30] =	vst v6  }
0x9e: {  	s7 =	sadd.s32 $0x80, s7;
	v4 =	vld.idx.msk [tilespmem:v7+s4+$0x0], $0xffff;
	[tilespmem:s0+$0xFFFFFFD0] =	vst v8  }
0x9f: {  	[tilespmem:s0+$0xFFFFFFE0] =	vst v5  }
0xa0: {  	[tilespmem:s0+$0xFFFFFFF0] =	vst v3  }
0xa1: {  	[tilespmem:s0+$0x0] =	vst v0  }
0xa2: {  	[tilespmem:s0+$0x10] =	vst v1  }
0xa3: {  	[tilespmem:s0+$0x20] =	vst v2  }
0xa4: {  	[tilespmem:s0+$0xFFFFFFC0] =	vst v4  }
0xa5: {  	[hbm4b:s14+s20] =	stream.strided.scatter [tilespmem:s25], [sflag:$0x2], $0x1000, s21, s20, $0x38;
	[tilespmem:$0x1E700] =	vst v63  }
0xa6: {  	_ =	swait.ge [sflag:s29], $0x1000  }
0xa7: {  	[sflag:s29] =	ssyncset.done $0x0  }
0xa8: {  	s31 =	simm.s32 $0x1B770;
	[sflag:s29] =	ssyncadd.s32 $0xFFFFF000  }
0xa9: {  	v0 =	vld [tilespmem:s31+$0x0]  }
0xaa: {  	v1 =	vld [tilespmem:s31+$0xFFFFFFA0]  }
0xab: {  	v2 =	vld [tilespmem:s31+$0xFFFFFFB0]  }
0xac: {  	v3 =	vld [tilespmem:s31+$0xFFFFFFC0]  }
0xad: {  	v4 =	vld [tilespmem:s31+$0xFFFFFFD0]  }
0xae: {  	v6 =	vld [tilespmem:s31+$0xFFFFFFE0]  }
0xaf: {  	v7 =	vld [tilespmem:s31+$0xFFFFFFF0]  }
0xb0: {  	v8 =	vld [tilespmem:s31+$0xFFFFFF90]  }
0xb1: {  	v9 =	vld.idx.msk [tilespmem:v0+s4+$0x0], $0xffff  }
0xb2: {  	v10 =	vld.idx.msk [tilespmem:v1+s4+$0x0], $0xffff  }
0xb3: {  	v5 =	vld.idx.msk [tilespmem:v2+s4+$0x0], $0xffff  }
0xb4: {  	v3 =	vld.idx.msk [tilespmem:v3+s4+$0x0], $0xffff  }
0xb5: {  	v0 =	vld.idx.msk [tilespmem:v4+s4+$0x0], $0xffff  }
0xb6: {  	s0 =	simm.s32 $0x1D740;
	v1 =	vld.idx.msk [tilespmem:v6+s4+$0x0], $0xffff  }
0xb7: {  	v2 =	vld.idx.msk [tilespmem:v7+s4+$0x0], $0xffff;
	[tilespmem:s0+$0x30] =	vst v9  }
0xb8: {  	s2 =	simm.s32 $0x0;
	s7 =	simm.s32 $0x1B7F0;
	v4 =	vld.idx.msk [tilespmem:v8+s4+$0x0], $0xffff;
	[tilespmem:s0+$0xFFFFFFD0] =	vst v10  }
.LBB2_8:
0xb9: {  	v6 =	vld [tilespmem:s7+$0x0];
	s2 =	sadd.s32 $0x8, s2;
	[tilespmem:s0+$0xFFFFFFE0] =	vst v5  }
0xba: {  	v5 =	vld [tilespmem:s7+$0xFFFFFFA0];
	p2 =	slt.u32 s2, $0xF8;
	[tilespmem:s0+$0xFFFFFFF0] =	vst v3  }
0xbb: {  	v3 =	vld [tilespmem:s7+$0xFFFFFFB0];
	[tilespmem:s0+$0x0] =	vst v0  }
0xbc: {  	v0 =	vld [tilespmem:s7+$0xFFFFFFC0];
	[tilespmem:s0+$0x10] =	vst v1  }
0xbd: {  	v1 =	vld [tilespmem:s7+$0xFFFFFFD0];
	[tilespmem:s0+$0x20] =	vst v2  }
0xbe: {  	v2 =	vld [tilespmem:s7+$0xFFFFFFE0];
	[tilespmem:s0+$0xFFFFFFC0] =	vst v4  }
0xbf: {  	v4 =	vld [tilespmem:s7+$0xFFFFFFF0]  }
0xc0: {  	v7 =	vld [tilespmem:s7+$0xFFFFFF90]  }
0xc1: {  	v6 =	vld.idx.msk [tilespmem:v6+s4+$0x0], $0xffff  }
0xc2: {  	v8 =	vld.idx.msk [tilespmem:v5+s4+$0x0], $0xffff  }
0xc3: {  	v5 =	vld.idx.msk [tilespmem:v3+s4+$0x0], $0xffff  }
.Ltmp5:
0xc4: {  	v3 =	vld.idx.msk [tilespmem:v0+s4+$0x0], $0xffff;
	(pc) =	sbr.rel @p2 .LBB2_8-.Ltmp5, $4  }
0xc5: {  	v0 =	vld.idx.msk [tilespmem:v1+s4+$0x0], $0xffff  }
0xc6: {  	s0 =	sadd.s32 $0x80, s0;
	v1 =	vld.idx.msk [tilespmem:v2+s4+$0x0], $0xffff  }
0xc7: {  	v2 =	vld.idx.msk [tilespmem:v4+s4+$0x0], $0xffff;
	[tilespmem:s0+$0x30] =	vst v6  }
0xc8: {  	s7 =	sadd.s32 $0x80, s7;
	v4 =	vld.idx.msk [tilespmem:v7+s4+$0x0], $0xffff;
	[tilespmem:s0+$0xFFFFFFD0] =	vst v8  }
0xc9: {  	[tilespmem:s0+$0xFFFFFFE0] =	vst v5  }
0xca: {  	[tilespmem:s0+$0xFFFFFFF0] =	vst v3  }
0xcb: {  	[tilespmem:s0+$0x0] =	vst v0  }
0xcc: {  	[tilespmem:s0+$0x10] =	vst v1  }
.Ltmp6:
0xcd: {  	[tilespmem:s0+$0x20] =	vst v2;
	(pc) =	sbr.rel @p1 .LBB2_19-.Ltmp6, $4  }
0xce: {  	[tilespmem:s0+$0xFFFFFFC0] =	vst v4  }
0xcf: {  	[hbm4b:s16+s20] =	stream.strided.scatter [tilespmem:s26], [sflag:$0x3], $0x1000, s21, s20, $0x38;
	[tilespmem:$0x1E700] =	vst v63  }
0xd0: {  	s31 =	smov.u32 s13  }
0xd1: {  	[tilespmem:s4], [sflag:$0x1] =	stream.strided.gather [hbm4b:s17+s20], $0x18700, s21, s20, $0x38;
	[tilespmem:$0x1E700] =	vst v63  }
.LBB2_10:
0xd2: {  	_ =	swait.ge [sflag:s24], $0x18700  }
0xd3: {  	[sflag:s24] =	ssyncset.done $0x0  }
0xd4: {  	[sflag:s24] =	ssyncadd.s32 $0xFFFE7900  }
0xd5: {  	_ =	swait.ge [sflag:s28], $0x1000  }
0xd6: {  	[sflag:s28] =	ssyncset.done $0x0  }
0xd7: {  	s0 =	simm.s32 $0x18740;
	[sflag:s28] =	ssyncadd.s32 $0xFFFFF000  }
0xd8: {  	v0 =	vld [tilespmem:s0+$0x30]  }
0xd9: {  	v1 =	vld [tilespmem:s0+$0xFFFFFFD0]  }
0xda: {  	v2 =	vld [tilespmem:s0+$0xFFFFFFE0]  }
0xdb: {  	v3 =	vld [tilespmem:s0+$0xFFFFFFF0]  }
0xdc: {  	v4 =	vld [tilespmem:s0+$0x0]  }
0xdd: {  	v5 =	vld [tilespmem:s0+$0x10]  }
0xde: {  	v6 =	vld [tilespmem:s0+$0x20]  }
0xdf: {  	v7 =	vld [tilespmem:s0+$0xFFFFFFC0]  }
0xe0: {  	v8 =	vld.idx.msk [tilespmem:v0+s4+$0x0], $0xffff  }
0xe1: {  	v9 =	vld.idx.msk [tilespmem:v1+s4+$0x0], $0xffff  }
0xe2: {  	v0 =	vld.idx.msk [tilespmem:v2+s4+$0x0], $0xffff  }
0xe3: {  	s9 =	sshll.u32 s31, $0x7;
	s2 =	sshll.u32 s31, $0xE;
	v1 =	vld.idx.msk [tilespmem:v3+s4+$0x0], $0xffff  }
0xe4: {  	s2 =	sand.u32 $0xFFFE0000, s2;
	s0 =	sand.u32 $0x380, s9;
	v2 =	vld.idx.msk [tilespmem:v4+s4+$0x0], $0xffff  }
0xe5: {  	s2 =	sor.u32 s0, s2;
	s0 =	simm.s32 $0x1C740;
	v3 =	vld.idx.msk [tilespmem:v5+s4+$0x0], $0xffff  }
0xe6: {  	s2 =	sshrl.u32 s2, $0x3;
	v4 =	vld.idx.msk [tilespmem:v6+s4+$0x0], $0xffff;
	[tilespmem:s0+$0x30] =	vst v8  }
0xe7: {  	s8 =	simm.s32 $0x0;
	s9 =	simm.s32 $0x187C0;
	s7 =	sadd.s32 s3, s2;
	v5 =	vld.idx.msk [tilespmem:v7+s4+$0x0], $0xffff;
	[tilespmem:s0+$0xFFFFFFD0] =	vst v9  }
.LBB2_11:
0xe8: {  	v6 =	vld [tilespmem:s9+$0x30];
	s8 =	sadd.s32 $0x8, s8;
	[tilespmem:s0+$0xFFFFFFE0] =	vst v0  }
0xe9: {  	v0 =	vld [tilespmem:s9+$0xFFFFFFD0];
	p2 =	slt.u32 s8, $0xF8;
	[tilespmem:s0+$0xFFFFFFF0] =	vst v1  }
0xea: {  	v1 =	vld [tilespmem:s9+$0xFFFFFFE0];
	[tilespmem:s0+$0x0] =	vst v2  }
0xeb: {  	v2 =	vld [tilespmem:s9+$0xFFFFFFF0];
	[tilespmem:s0+$0x10] =	vst v3  }
0xec: {  	v3 =	vld [tilespmem:s9+$0x0];
	[tilespmem:s0+$0x20] =	vst v4  }
0xed: {  	v4 =	vld [tilespmem:s9+$0x10];
	[tilespmem:s0+$0xFFFFFFC0] =	vst v5  }
0xee: {  	v5 =	vld [tilespmem:s9+$0x20]  }
0xef: {  	v7 =	vld [tilespmem:s9+$0xFFFFFFC0]  }
0xf0: {  	v6 =	vld.idx.msk [tilespmem:v6+s4+$0x0], $0xffff  }
0xf1: {  	v8 =	vld.idx.msk [tilespmem:v0+s4+$0x0], $0xffff  }
0xf2: {  	v0 =	vld.idx.msk [tilespmem:v1+s4+$0x0], $0xffff  }
.Ltmp7:
0xf3: {  	v1 =	vld.idx.msk [tilespmem:v2+s4+$0x0], $0xffff;
	(pc) =	sbr.rel @p2 .LBB2_11-.Ltmp7, $4  }
0xf4: {  	v2 =	vld.idx.msk [tilespmem:v3+s4+$0x0], $0xffff  }
0xf5: {  	s0 =	sadd.s32 $0x80, s0;
	v3 =	vld.idx.msk [tilespmem:v4+s4+$0x0], $0xffff  }
0xf6: {  	v4 =	vld.idx.msk [tilespmem:v5+s4+$0x0], $0xffff;
	[tilespmem:s0+$0x30] =	vst v6  }
0xf7: {  	s9 =	sadd.s32 $0x80, s9;
	v5 =	vld.idx.msk [tilespmem:v7+s4+$0x0], $0xffff;
	[tilespmem:s0+$0xFFFFFFD0] =	vst v8  }
0xf8: {  	[tilespmem:s0+$0xFFFFFFE0] =	vst v0  }
0xf9: {  	[tilespmem:s0+$0xFFFFFFF0] =	vst v1  }
0xfa: {  	[tilespmem:s0+$0x0] =	vst v2  }
0xfb: {  	[tilespmem:s0+$0x10] =	vst v3  }
0xfc: {  	[tilespmem:s0+$0x20] =	vst v4  }
0xfd: {  	[tilespmem:s0+$0xFFFFFFC0] =	vst v5  }
0xfe: {  	[hbm4b:s7+s20] =	stream.strided.scatter [tilespmem:s25], [sflag:$0x2], $0x1000, s21, s20, $0x38;
	[tilespmem:$0x1E700] =	vst v63  }
0xff: {  	_ =	swait.ge [sflag:s29], $0x1000  }
0x100: {  	[sflag:s29] =	ssyncset.done $0x0  }
0x101: {  	s9 =	simm.s32 $0x19770;
	[sflag:s29] =	ssyncadd.s32 $0xFFFFF000  }
0x102: {  	v0 =	vld [tilespmem:s9+$0x0]  }
0x103: {  	v1 =	vld [tilespmem:s9+$0xFFFFFFA0]  }
0x104: {  	v2 =	vld [tilespmem:s9+$0xFFFFFFB0]  }
0x105: {  	v3 =	vld [tilespmem:s9+$0xFFFFFFC0]  }
0x106: {  	v5 =	vld [tilespmem:s9+$0xFFFFFFD0]  }
0x107: {  	v6 =	vld [tilespmem:s9+$0xFFFFFFE0]  }
0x108: {  	v7 =	vld [tilespmem:s9+$0xFFFFFFF0]  }
0x109: {  	v8 =	vld [tilespmem:s9+$0xFFFFFF90]  }
0x10a: {  	v9 =	vld.idx.msk [tilespmem:v0+s4+$0x0], $0xffff  }
0x10b: {  	v10 =	vld.idx.msk [tilespmem:v1+s4+$0x0], $0xffff  }
0x10c: {  	v4 =	vld.idx.msk [tilespmem:v2+s4+$0x0], $0xffff  }
0x10d: {  	v3 =	vld.idx.msk [tilespmem:v3+s4+$0x0], $0xffff  }
0x10e: {  	v0 =	vld.idx.msk [tilespmem:v5+s4+$0x0], $0xffff  }
0x10f: {  	s0 =	simm.s32 $0x1D740;
	v1 =	vld.idx.msk [tilespmem:v6+s4+$0x0], $0xffff  }
0x110: {  	v2 =	vld.idx.msk [tilespmem:v7+s4+$0x0], $0xffff;
	[tilespmem:s0+$0x30] =	vst v9  }
0x111: {  	s8 =	simm.s32 $0x0;
	s7 =	sadd.s32 s2, s10;
	s9 =	simm.s32 $0x197F0;
	v5 =	vld.idx.msk [tilespmem:v8+s4+$0x0], $0xffff;
	[tilespmem:s0+$0xFFFFFFD0] =	vst v10  }
.LBB2_13:
0x112: {  	v6 =	vld [tilespmem:s9+$0x0];
	s8 =	sadd.s32 $0x8, s8;
	[tilespmem:s0+$0xFFFFFFE0] =	vst v4  }
0x113: {  	v4 =	vld [tilespmem:s9+$0xFFFFFFA0];
	p2 =	slt.u32 s8, $0xF8;
	[tilespmem:s0+$0xFFFFFFF0] =	vst v3  }
0x114: {  	v3 =	vld [tilespmem:s9+$0xFFFFFFB0];
	[tilespmem:s0+$0x0] =	vst v0  }
0x115: {  	v0 =	vld [tilespmem:s9+$0xFFFFFFC0];
	[tilespmem:s0+$0x10] =	vst v1  }
0x116: {  	v1 =	vld [tilespmem:s9+$0xFFFFFFD0];
	[tilespmem:s0+$0x20] =	vst v2  }
0x117: {  	v2 =	vld [tilespmem:s9+$0xFFFFFFE0];
	[tilespmem:s0+$0xFFFFFFC0] =	vst v5  }
0x118: {  	v5 =	vld [tilespmem:s9+$0xFFFFFFF0]  }
0x119: {  	v7 =	vld [tilespmem:s9+$0xFFFFFF90]  }
0x11a: {  	v6 =	vld.idx.msk [tilespmem:v6+s4+$0x0], $0xffff  }
0x11b: {  	v8 =	vld.idx.msk [tilespmem:v4+s4+$0x0], $0xffff  }
0x11c: {  	v4 =	vld.idx.msk [tilespmem:v3+s4+$0x0], $0xffff  }
.Ltmp8:
0x11d: {  	v3 =	vld.idx.msk [tilespmem:v0+s4+$0x0], $0xffff;
	(pc) =	sbr.rel @p2 .LBB2_13-.Ltmp8, $4  }
0x11e: {  	v0 =	vld.idx.msk [tilespmem:v1+s4+$0x0], $0xffff  }
0x11f: {  	s0 =	sadd.s32 $0x80, s0;
	v1 =	vld.idx.msk [tilespmem:v2+s4+$0x0], $0xffff  }
0x120: {  	v2 =	vld.idx.msk [tilespmem:v5+s4+$0x0], $0xffff;
	[tilespmem:s0+$0x30] =	vst v6  }
0x121: {  	s9 =	sadd.s32 $0x80, s9;
	v5 =	vld.idx.msk [tilespmem:v7+s4+$0x0], $0xffff;
	[tilespmem:s0+$0xFFFFFFD0] =	vst v8  }
0x122: {  	[tilespmem:s0+$0xFFFFFFE0] =	vst v4  }
0x123: {  	[tilespmem:s0+$0xFFFFFFF0] =	vst v3  }
0x124: {  	[tilespmem:s0+$0x0] =	vst v0  }
0x125: {  	[tilespmem:s0+$0x10] =	vst v1  }
0x126: {  	[tilespmem:s0+$0x20] =	vst v2  }
0x127: {  	[tilespmem:s0+$0xFFFFFFC0] =	vst v5  }
0x128: {  	[hbm4b:s7+s20] =	stream.strided.scatter [tilespmem:s26], [sflag:$0x3], $0x1000, s21, s20, $0x38;
	[tilespmem:$0x1E700] =	vst v63  }
0x129: {  	_ =	swait.ge [sflag:s28], $0x1000  }
0x12a: {  	[sflag:s28] =	ssyncset.done $0x0  }
0x12b: {  	s9 =	simm.s32 $0x1A770;
	[sflag:s28] =	ssyncadd.s32 $0xFFFFF000  }
0x12c: {  	v0 =	vld [tilespmem:s9+$0x0]  }
0x12d: {  	v1 =	vld [tilespmem:s9+$0xFFFFFFA0]  }
0x12e: {  	v2 =	vld [tilespmem:s9+$0xFFFFFFB0]  }
0x12f: {  	v3 =	vld [tilespmem:s9+$0xFFFFFFC0]  }
0x130: {  	v5 =	vld [tilespmem:s9+$0xFFFFFFD0]  }
0x131: {  	v6 =	vld [tilespmem:s9+$0xFFFFFFE0]  }
0x132: {  	v7 =	vld [tilespmem:s9+$0xFFFFFFF0]  }
0x133: {  	v8 =	vld [tilespmem:s9+$0xFFFFFF90]  }
0x134: {  	v9 =	vld.idx.msk [tilespmem:v0+s4+$0x0], $0xffff  }
0x135: {  	v10 =	vld.idx.msk [tilespmem:v1+s4+$0x0], $0xffff  }
0x136: {  	v4 =	vld.idx.msk [tilespmem:v2+s4+$0x0], $0xffff  }
0x137: {  	v3 =	vld.idx.msk [tilespmem:v3+s4+$0x0], $0xffff  }
0x138: {  	v0 =	vld.idx.msk [tilespmem:v5+s4+$0x0], $0xffff  }
0x139: {  	s0 =	simm.s32 $0x1C740;
	v1 =	vld.idx.msk [tilespmem:v6+s4+$0x0], $0xffff  }
0x13a: {  	v2 =	vld.idx.msk [tilespmem:v7+s4+$0x0], $0xffff;
	[tilespmem:s0+$0x30] =	vst v9  }
0x13b: {  	s8 =	simm.s32 $0x0;
	s7 =	sadd.s32 s2, s12;
	s9 =	simm.s32 $0x1A7F0;
	v5 =	vld.idx.msk [tilespmem:v8+s4+$0x0], $0xffff;
	[tilespmem:s0+$0xFFFFFFD0] =	vst v10  }
.LBB2_15:
0x13c: {  	v6 =	vld [tilespmem:s9+$0x0];
	s8 =	sadd.s32 $0x8, s8;
	[tilespmem:s0+$0xFFFFFFE0] =	vst v4  }
0x13d: {  	v4 =	vld [tilespmem:s9+$0xFFFFFFA0];
	p2 =	slt.u32 s8, $0xF8;
	[tilespmem:s0+$0xFFFFFFF0] =	vst v3  }
0x13e: {  	v3 =	vld [tilespmem:s9+$0xFFFFFFB0];
	[tilespmem:s0+$0x0] =	vst v0  }
0x13f: {  	v0 =	vld [tilespmem:s9+$0xFFFFFFC0];
	[tilespmem:s0+$0x10] =	vst v1  }
0x140: {  	v1 =	vld [tilespmem:s9+$0xFFFFFFD0];
	[tilespmem:s0+$0x20] =	vst v2  }
0x141: {  	v2 =	vld [tilespmem:s9+$0xFFFFFFE0];
	[tilespmem:s0+$0xFFFFFFC0] =	vst v5  }
0x142: {  	v5 =	vld [tilespmem:s9+$0xFFFFFFF0]  }
0x143: {  	v7 =	vld [tilespmem:s9+$0xFFFFFF90]  }
0x144: {  	v6 =	vld.idx.msk [tilespmem:v6+s4+$0x0], $0xffff  }
0x145: {  	v8 =	vld.idx.msk [tilespmem:v4+s4+$0x0], $0xffff  }
0x146: {  	v4 =	vld.idx.msk [tilespmem:v3+s4+$0x0], $0xffff  }
.Ltmp9:
0x147: {  	v3 =	vld.idx.msk [tilespmem:v0+s4+$0x0], $0xffff;
	(pc) =	sbr.rel @p2 .LBB2_15-.Ltmp9, $4  }
0x148: {  	v0 =	vld.idx.msk [tilespmem:v1+s4+$0x0], $0xffff  }
0x149: {  	s0 =	sadd.s32 $0x80, s0;
	v1 =	vld.idx.msk [tilespmem:v2+s4+$0x0], $0xffff  }
0x14a: {  	v2 =	vld.idx.msk [tilespmem:v5+s4+$0x0], $0xffff;
	[tilespmem:s0+$0x30] =	vst v6  }
0x14b: {  	s9 =	sadd.s32 $0x80, s9;
	v5 =	vld.idx.msk [tilespmem:v7+s4+$0x0], $0xffff;
	[tilespmem:s0+$0xFFFFFFD0] =	vst v8  }
0x14c: {  	[tilespmem:s0+$0xFFFFFFE0] =	vst v4  }
0x14d: {  	[tilespmem:s0+$0xFFFFFFF0] =	vst v3  }
0x14e: {  	[tilespmem:s0+$0x0] =	vst v0  }
0x14f: {  	[tilespmem:s0+$0x10] =	vst v1  }
0x150: {  	[tilespmem:s0+$0x20] =	vst v2  }
0x151: {  	[tilespmem:s0+$0xFFFFFFC0] =	vst v5  }
0x152: {  	[hbm4b:s7+s20] =	stream.strided.scatter [tilespmem:s25], [sflag:$0x2], $0x1000, s21, s20, $0x38;
	[tilespmem:$0x1E700] =	vst v63  }
0x153: {  	_ =	swait.ge [sflag:s29], $0x1000  }
0x154: {  	[sflag:s29] =	ssyncset.done $0x0  }
0x155: {  	s9 =	simm.s32 $0x1B770;
	[sflag:s29] =	ssyncadd.s32 $0xFFFFF000  }
0x156: {  	v0 =	vld [tilespmem:s9+$0x0]  }
0x157: {  	v1 =	vld [tilespmem:s9+$0xFFFFFFA0]  }
0x158: {  	v2 =	vld [tilespmem:s9+$0xFFFFFFB0]  }
0x159: {  	v3 =	vld [tilespmem:s9+$0xFFFFFFC0]  }
0x15a: {  	v5 =	vld [tilespmem:s9+$0xFFFFFFD0]  }
0x15b: {  	v6 =	vld [tilespmem:s9+$0xFFFFFFE0]  }
0x15c: {  	v7 =	vld [tilespmem:s9+$0xFFFFFFF0]  }
0x15d: {  	v8 =	vld [tilespmem:s9+$0xFFFFFF90]  }
0x15e: {  	v9 =	vld.idx.msk [tilespmem:v0+s4+$0x0], $0xffff  }
0x15f: {  	v10 =	vld.idx.msk [tilespmem:v1+s4+$0x0], $0xffff  }
0x160: {  	v4 =	vld.idx.msk [tilespmem:v2+s4+$0x0], $0xffff  }
0x161: {  	v3 =	vld.idx.msk [tilespmem:v3+s4+$0x0], $0xffff  }
0x162: {  	v0 =	vld.idx.msk [tilespmem:v5+s4+$0x0], $0xffff  }
0x163: {  	s0 =	simm.s32 $0x1D740;
	v1 =	vld.idx.msk [tilespmem:v6+s4+$0x0], $0xffff  }
0x164: {  	v2 =	vld.idx.msk [tilespmem:v7+s4+$0x0], $0xffff;
	[tilespmem:s0+$0x30] =	vst v9  }
0x165: {  	s2 =	sadd.s32 s2, s15;
	s8 =	simm.s32 $0x1B7F0;
	s7 =	simm.s32 $0x0;
	v5 =	vld.idx.msk [tilespmem:v8+s4+$0x0], $0xffff;
	[tilespmem:s0+$0xFFFFFFD0] =	vst v10  }
.LBB2_17:
0x166: {  	v6 =	vld [tilespmem:s8+$0x0];
	s7 =	sadd.s32 $0x8, s7;
	[tilespmem:s0+$0xFFFFFFE0] =	vst v4  }
0x167: {  	v4 =	vld [tilespmem:s8+$0xFFFFFFA0];
	p2 =	slt.u32 s7, $0xF8;
	[tilespmem:s0+$0xFFFFFFF0] =	vst v3  }
0x168: {  	v3 =	vld [tilespmem:s8+$0xFFFFFFB0];
	[tilespmem:s0+$0x0] =	vst v0  }
0x169: {  	v0 =	vld [tilespmem:s8+$0xFFFFFFC0];
	[tilespmem:s0+$0x10] =	vst v1  }
0x16a: {  	v1 =	vld [tilespmem:s8+$0xFFFFFFD0];
	[tilespmem:s0+$0x20] =	vst v2  }
0x16b: {  	v2 =	vld [tilespmem:s8+$0xFFFFFFE0];
	[tilespmem:s0+$0xFFFFFFC0] =	vst v5  }
0x16c: {  	v5 =	vld [tilespmem:s8+$0xFFFFFFF0]  }
0x16d: {  	v7 =	vld [tilespmem:s8+$0xFFFFFF90]  }
0x16e: {  	v6 =	vld.idx.msk [tilespmem:v6+s4+$0x0], $0xffff  }
0x16f: {  	v8 =	vld.idx.msk [tilespmem:v4+s4+$0x0], $0xffff  }
0x170: {  	v4 =	vld.idx.msk [tilespmem:v3+s4+$0x0], $0xffff  }
.Ltmp10:
0x171: {  	v3 =	vld.idx.msk [tilespmem:v0+s4+$0x0], $0xffff;
	(pc) =	sbr.rel @p2 .LBB2_17-.Ltmp10, $4  }
0x172: {  	v0 =	vld.idx.msk [tilespmem:v1+s4+$0x0], $0xffff  }
0x173: {  	s0 =	sadd.s32 $0x80, s0;
	v1 =	vld.idx.msk [tilespmem:v2+s4+$0x0], $0xffff  }
0x174: {  	v2 =	vld.idx.msk [tilespmem:v5+s4+$0x0], $0xffff;
	[tilespmem:s0+$0x30] =	vst v6  }
0x175: {  	s8 =	sadd.s32 $0x80, s8;
	v5 =	vld.idx.msk [tilespmem:v7+s4+$0x0], $0xffff;
	[tilespmem:s0+$0xFFFFFFD0] =	vst v8  }
0x176: {  	[tilespmem:s0+$0xFFFFFFE0] =	vst v4  }
0x177: {  	[tilespmem:s0+$0xFFFFFFF0] =	vst v3  }
0x178: {  	[tilespmem:s0+$0x0] =	vst v0  }
0x179: {  	[tilespmem:s0+$0x10] =	vst v1  }
0x17a: {  	s31 =	sadd.s32 $0x1, s31;
	[tilespmem:s0+$0x20] =	vst v2  }
0x17b: {  	p2 =	slt.s32 s31, $0x33F;
	[tilespmem:s0+$0xFFFFFFC0] =	vst v5;
	s0 =	smov.u32 s31  }
0x17c: {  	[hbm4b:s2+s20] =	stream.strided.scatter [tilespmem:s26], [sflag:$0x3], $0x1000, s21, s20, $0x38;
	[tilespmem:$0x1E700] =	vst v63  }
0x17d: {  	s0 =	simm.s32 @!p2 $0x33F  }
0x17e: {  	s9 =	sshrl.u32 s0, $0x3  }
0x17f: {  	p2 =	slt.u32 s31, s6;
	s0 =	sshll.u32 s0, $0x7;
	s2 =	smul.u32 $0xC3800, s9  }
.Ltmp11:
0x180: {  	s0 =	sand.u32 $0x380, s0;
	(pc) =	sbr.rel @p2 .LBB2_10-.Ltmp11, $4  }
0x181: {  	s0 =	sor.u32 s0, s2  }
0x182: {  	s0 =	sshrl.u32 s0, $0x3  }
0x183: {  	s0 =	sadd.s32 s1, s0  }
0x184: {  	[tilespmem:s4], [sflag:$0x1] =	stream.strided.gather [hbm4b:s0+s20], $0x18700, s21, s20, $0x38;
	[tilespmem:$0x1E700] =	vst v63  }
.LBB2_19:
.Ltmp12:
0x185: {  	(pc) =	sbr.rel @p0 .LBB2_29-.Ltmp12, $4  }
0x186: {  	[tilespmem:s22], [sflag:$0x4] =	stream.strided.gather [hbm4b:s18+s20], $0x4000, s21, s20, $0x38;
	[tilespmem:$0x1E700] =	vst v63  }
0x187: {  	_ =	swait.ge [sflag:s23], $0x4000  }
0x188: {  	[sflag:s23] =	ssyncset.done $0x0  }
0x189: {  	s31 =	smov.u32 s6;
	[sflag:s23] =	ssyncadd.s32 $0xFFFFC000  }
.LBB2_20:
0x18a: {  	_ =	swait.ge [sflag:s24], $0x18700  }
0x18b: {  	[sflag:s24] =	ssyncset.done $0x0  }
0x18c: {  	[sflag:s24] =	ssyncadd.s32 $0xFFFE7900  }
0x18d: {  	_ =	swait.ge [sflag:s28], $0x1000  }
0x18e: {  	[sflag:s28] =	ssyncset.done $0x0  }
0x18f: {  	s0 =	simm.s32 $0x18740;
	[sflag:s28] =	ssyncadd.s32 $0xFFFFF000  }
0x190: {  	v0 =	vld [tilespmem:s0+$0x30]  }
0x191: {  	v1 =	vld [tilespmem:s0+$0xFFFFFFD0]  }
0x192: {  	v2 =	vld [tilespmem:s0+$0xFFFFFFE0]  }
0x193: {  	v3 =	vld [tilespmem:s0+$0xFFFFFFF0]  }
0x194: {  	v4 =	vld [tilespmem:s0+$0x0]  }
0x195: {  	v5 =	vld [tilespmem:s0+$0x10]  }
0x196: {  	v6 =	vld [tilespmem:s0+$0x20]  }
0x197: {  	v7 =	vld [tilespmem:s0+$0xFFFFFFC0]  }
0x198: {  	v8 =	vld.idx.msk [tilespmem:v0+s4+$0x0], $0xffff  }
0x199: {  	v9 =	vld.idx.msk [tilespmem:v1+s4+$0x0], $0xffff  }
0x19a: {  	v0 =	vld.idx.msk [tilespmem:v2+s4+$0x0], $0xffff  }
0x19b: {  	s9 =	sshll.u32 s31, $0x7;
	s2 =	sshll.u32 s31, $0xE;
	v1 =	vld.idx.msk [tilespmem:v3+s4+$0x0], $0xffff  }
0x19c: {  	s2 =	sand.u32 $0x7FFE0000, s2;
	s0 =	sand.u32 $0x380, s9;
	v2 =	vld.idx.msk [tilespmem:v4+s4+$0x0], $0xffff  }
0x19d: {  	s2 =	sor.u32 s0, s2;
	s0 =	simm.s32 $0x1C740;
	v3 =	vld.idx.msk [tilespmem:v5+s4+$0x0], $0xffff  }
0x19e: {  	s2 =	sshrl.u32 s2, $0x3;
	v4 =	vld.idx.msk [tilespmem:v6+s4+$0x0], $0xffff;
	[tilespmem:s0+$0x30] =	vst v8  }
0x19f: {  	s8 =	simm.s32 $0x0;
	s9 =	simm.s32 $0x187C0;
	s7 =	sadd.s32 s3, s2;
	v5 =	vld.idx.msk [tilespmem:v7+s4+$0x0], $0xffff;
	[tilespmem:s0+$0xFFFFFFD0] =	vst v9  }
.LBB2_21:
0x1a0: {  	v6 =	vld [tilespmem:s9+$0x30];
	s8 =	sadd.s32 $0x8, s8;
	[tilespmem:s0+$0xFFFFFFE0] =	vst v0  }
0x1a1: {  	v0 =	vld [tilespmem:s9+$0xFFFFFFD0];
	p2 =	slt.u32 s8, $0xF8;
	[tilespmem:s0+$0xFFFFFFF0] =	vst v1  }
0x1a2: {  	v1 =	vld [tilespmem:s9+$0xFFFFFFE0];
	[tilespmem:s0+$0x0] =	vst v2  }
0x1a3: {  	v2 =	vld [tilespmem:s9+$0xFFFFFFF0];
	[tilespmem:s0+$0x10] =	vst v3  }
0x1a4: {  	v3 =	vld [tilespmem:s9+$0x0];
	[tilespmem:s0+$0x20] =	vst v4  }
0x1a5: {  	v4 =	vld [tilespmem:s9+$0x10];
	[tilespmem:s0+$0xFFFFFFC0] =	vst v5  }
0x1a6: {  	v5 =	vld [tilespmem:s9+$0x20]  }
0x1a7: {  	v7 =	vld [tilespmem:s9+$0xFFFFFFC0]  }
0x1a8: {  	v6 =	vld.idx.msk [tilespmem:v6+s4+$0x0], $0xffff  }
0x1a9: {  	v8 =	vld.idx.msk [tilespmem:v0+s4+$0x0], $0xffff  }
0x1aa: {  	v0 =	vld.idx.msk [tilespmem:v1+s4+$0x0], $0xffff  }
.Ltmp13:
0x1ab: {  	v1 =	vld.idx.msk [tilespmem:v2+s4+$0x0], $0xffff;
	(pc) =	sbr.rel @p2 .LBB2_21-.Ltmp13, $4  }
0x1ac: {  	v2 =	vld.idx.msk [tilespmem:v3+s4+$0x0], $0xffff  }
0x1ad: {  	s0 =	sadd.s32 $0x80, s0;
	v3 =	vld.idx.msk [tilespmem:v4+s4+$0x0], $0xffff  }
0x1ae: {  	v4 =	vld.idx.msk [tilespmem:v5+s4+$0x0], $0xffff;
	[tilespmem:s0+$0x30] =	vst v6  }
0x1af: {  	s9 =	sadd.s32 $0x80, s9;
	v5 =	vld.idx.msk [tilespmem:v7+s4+$0x0], $0xffff;
	[tilespmem:s0+$0xFFFFFFD0] =	vst v8  }
0x1b0: {  	[tilespmem:s0+$0xFFFFFFE0] =	vst v0  }
0x1b1: {  	[tilespmem:s0+$0xFFFFFFF0] =	vst v1  }
0x1b2: {  	[tilespmem:s0+$0x0] =	vst v2  }
0x1b3: {  	[tilespmem:s0+$0x10] =	vst v3  }
0x1b4: {  	[tilespmem:s0+$0x20] =	vst v4  }
0x1b5: {  	[tilespmem:s0+$0xFFFFFFC0] =	vst v5  }
0x1b6: {  	[hbm4b:s7+s20] =	stream.strided.scatter [tilespmem:s25], [sflag:$0x2], $0x1000, s21, s20, $0x38;
	[tilespmem:$0x1E700] =	vst v63  }
0x1b7: {  	_ =	swait.ge [sflag:s29], $0x1000  }
0x1b8: {  	[sflag:s29] =	ssyncset.done $0x0  }
0x1b9: {  	s9 =	simm.s32 $0x19770;
	[sflag:s29] =	ssyncadd.s32 $0xFFFFF000  }
0x1ba: {  	v0 =	vld [tilespmem:s9+$0x0]  }
0x1bb: {  	v1 =	vld [tilespmem:s9+$0xFFFFFFA0]  }
0x1bc: {  	v2 =	vld [tilespmem:s9+$0xFFFFFFB0]  }
0x1bd: {  	v3 =	vld [tilespmem:s9+$0xFFFFFFC0]  }
0x1be: {  	v5 =	vld [tilespmem:s9+$0xFFFFFFD0]  }
0x1bf: {  	v6 =	vld [tilespmem:s9+$0xFFFFFFE0]  }
0x1c0: {  	v7 =	vld [tilespmem:s9+$0xFFFFFFF0]  }
0x1c1: {  	v8 =	vld [tilespmem:s9+$0xFFFFFF90]  }
0x1c2: {  	v9 =	vld.idx.msk [tilespmem:v0+s4+$0x0], $0xffff  }
0x1c3: {  	v10 =	vld.idx.msk [tilespmem:v1+s4+$0x0], $0xffff  }
0x1c4: {  	v4 =	vld.idx.msk [tilespmem:v2+s4+$0x0], $0xffff  }
0x1c5: {  	v3 =	vld.idx.msk [tilespmem:v3+s4+$0x0], $0xffff  }
0x1c6: {  	v0 =	vld.idx.msk [tilespmem:v5+s4+$0x0], $0xffff  }
0x1c7: {  	s0 =	simm.s32 $0x1D740;
	v1 =	vld.idx.msk [tilespmem:v6+s4+$0x0], $0xffff  }
0x1c8: {  	v2 =	vld.idx.msk [tilespmem:v7+s4+$0x0], $0xffff;
	[tilespmem:s0+$0x30] =	vst v9  }
0x1c9: {  	s8 =	simm.s32 $0x0;
	s7 =	sadd.s32 s2, s10;
	s9 =	simm.s32 $0x197F0;
	v5 =	vld.idx.msk [tilespmem:v8+s4+$0x0], $0xffff;
	[tilespmem:s0+$0xFFFFFFD0] =	vst v10  }
.LBB2_23:
0x1ca: {  	v6 =	vld [tilespmem:s9+$0x0];
	s8 =	sadd.s32 $0x8, s8;
	[tilespmem:s0+$0xFFFFFFE0] =	vst v4  }
0x1cb: {  	v4 =	vld [tilespmem:s9+$0xFFFFFFA0];
	p2 =	slt.u32 s8, $0xF8;
	[tilespmem:s0+$0xFFFFFFF0] =	vst v3  }
0x1cc: {  	v3 =	vld [tilespmem:s9+$0xFFFFFFB0];
	[tilespmem:s0+$0x0] =	vst v0  }
0x1cd: {  	v0 =	vld [tilespmem:s9+$0xFFFFFFC0];
	[tilespmem:s0+$0x10] =	vst v1  }
0x1ce: {  	v1 =	vld [tilespmem:s9+$0xFFFFFFD0];
	[tilespmem:s0+$0x20] =	vst v2  }
0x1cf: {  	v2 =	vld [tilespmem:s9+$0xFFFFFFE0];
	[tilespmem:s0+$0xFFFFFFC0] =	vst v5  }
0x1d0: {  	v5 =	vld [tilespmem:s9+$0xFFFFFFF0]  }
0x1d1: {  	v7 =	vld [tilespmem:s9+$0xFFFFFF90]  }
0x1d2: {  	v6 =	vld.idx.msk [tilespmem:v6+s4+$0x0], $0xffff  }
0x1d3: {  	v8 =	vld.idx.msk [tilespmem:v4+s4+$0x0], $0xffff  }
0x1d4: {  	v4 =	vld.idx.msk [tilespmem:v3+s4+$0x0], $0xffff  }
.Ltmp14:
0x1d5: {  	v3 =	vld.idx.msk [tilespmem:v0+s4+$0x0], $0xffff;
	(pc) =	sbr.rel @p2 .LBB2_23-.Ltmp14, $4  }
0x1d6: {  	v0 =	vld.idx.msk [tilespmem:v1+s4+$0x0], $0xffff  }
0x1d7: {  	s0 =	sadd.s32 $0x80, s0;
	v1 =	vld.idx.msk [tilespmem:v2+s4+$0x0], $0xffff  }
0x1d8: {  	v2 =	vld.idx.msk [tilespmem:v5+s4+$0x0], $0xffff;
	[tilespmem:s0+$0x30] =	vst v6  }
0x1d9: {  	s9 =	sadd.s32 $0x80, s9;
	v5 =	vld.idx.msk [tilespmem:v7+s4+$0x0], $0xffff;
	[tilespmem:s0+$0xFFFFFFD0] =	vst v8  }
0x1da: {  	[tilespmem:s0+$0xFFFFFFE0] =	vst v4  }
0x1db: {  	[tilespmem:s0+$0xFFFFFFF0] =	vst v3  }
0x1dc: {  	[tilespmem:s0+$0x0] =	vst v0  }
0x1dd: {  	[tilespmem:s0+$0x10] =	vst v1  }
0x1de: {  	[tilespmem:s0+$0x20] =	vst v2  }
0x1df: {  	[tilespmem:s0+$0xFFFFFFC0] =	vst v5  }
0x1e0: {  	[hbm4b:s7+s20] =	stream.strided.scatter [tilespmem:s26], [sflag:$0x3], $0x1000, s21, s20, $0x38;
	[tilespmem:$0x1E700] =	vst v63  }
0x1e1: {  	_ =	swait.ge [sflag:s28], $0x1000  }
0x1e2: {  	[sflag:s28] =	ssyncset.done $0x0  }
0x1e3: {  	s9 =	simm.s32 $0x1A770;
	[sflag:s28] =	ssyncadd.s32 $0xFFFFF000  }
0x1e4: {  	v0 =	vld [tilespmem:s9+$0x0]  }
0x1e5: {  	v1 =	vld [tilespmem:s9+$0xFFFFFFA0]  }
0x1e6: {  	v2 =	vld [tilespmem:s9+$0xFFFFFFB0]  }
0x1e7: {  	v3 =	vld [tilespmem:s9+$0xFFFFFFC0]  }
0x1e8: {  	v5 =	vld [tilespmem:s9+$0xFFFFFFD0]  }
0x1e9: {  	v6 =	vld [tilespmem:s9+$0xFFFFFFE0]  }
0x1ea: {  	v7 =	vld [tilespmem:s9+$0xFFFFFFF0]  }
0x1eb: {  	v8 =	vld [tilespmem:s9+$0xFFFFFF90]  }
0x1ec: {  	v9 =	vld.idx.msk [tilespmem:v0+s4+$0x0], $0xffff  }
0x1ed: {  	v10 =	vld.idx.msk [tilespmem:v1+s4+$0x0], $0xffff  }
0x1ee: {  	v4 =	vld.idx.msk [tilespmem:v2+s4+$0x0], $0xffff  }
0x1ef: {  	v3 =	vld.idx.msk [tilespmem:v3+s4+$0x0], $0xffff  }
0x1f0: {  	v0 =	vld.idx.msk [tilespmem:v5+s4+$0x0], $0xffff  }
0x1f1: {  	s0 =	simm.s32 $0x1C740;
	v1 =	vld.idx.msk [tilespmem:v6+s4+$0x0], $0xffff  }
0x1f2: {  	v2 =	vld.idx.msk [tilespmem:v7+s4+$0x0], $0xffff;
	[tilespmem:s0+$0x30] =	vst v9  }
0x1f3: {  	s8 =	simm.s32 $0x0;
	s7 =	sadd.s32 s2, s12;
	s9 =	simm.s32 $0x1A7F0;
	v5 =	vld.idx.msk [tilespmem:v8+s4+$0x0], $0xffff;
	[tilespmem:s0+$0xFFFFFFD0] =	vst v10  }
.LBB2_25:
0x1f4: {  	v6 =	vld [tilespmem:s9+$0x0];
	s8 =	sadd.s32 $0x8, s8;
	[tilespmem:s0+$0xFFFFFFE0] =	vst v4  }
0x1f5: {  	v4 =	vld [tilespmem:s9+$0xFFFFFFA0];
	p2 =	slt.u32 s8, $0xF8;
	[tilespmem:s0+$0xFFFFFFF0] =	vst v3  }
0x1f6: {  	v3 =	vld [tilespmem:s9+$0xFFFFFFB0];
	[tilespmem:s0+$0x0] =	vst v0  }
0x1f7: {  	v0 =	vld [tilespmem:s9+$0xFFFFFFC0];
	[tilespmem:s0+$0x10] =	vst v1  }
0x1f8: {  	v1 =	vld [tilespmem:s9+$0xFFFFFFD0];
	[tilespmem:s0+$0x20] =	vst v2  }
0x1f9: {  	v2 =	vld [tilespmem:s9+$0xFFFFFFE0];
	[tilespmem:s0+$0xFFFFFFC0] =	vst v5  }
0x1fa: {  	v5 =	vld [tilespmem:s9+$0xFFFFFFF0]  }
0x1fb: {  	v7 =	vld [tilespmem:s9+$0xFFFFFF90]  }
0x1fc: {  	v6 =	vld.idx.msk [tilespmem:v6+s4+$0x0], $0xffff  }
0x1fd: {  	v8 =	vld.idx.msk [tilespmem:v4+s4+$0x0], $0xffff  }
0x1fe: {  	v4 =	vld.idx.msk [tilespmem:v3+s4+$0x0], $0xffff  }
.Ltmp15:
0x1ff: {  	v3 =	vld.idx.msk [tilespmem:v0+s4+$0x0], $0xffff;
	(pc) =	sbr.rel @p2 .LBB2_25-.Ltmp15, $4  }
0x200: {  	v0 =	vld.idx.msk [tilespmem:v1+s4+$0x0], $0xffff  }
0x201: {  	s0 =	sadd.s32 $0x80, s0;
	v1 =	vld.idx.msk [tilespmem:v2+s4+$0x0], $0xffff  }
0x202: {  	v2 =	vld.idx.msk [tilespmem:v5+s4+$0x0], $0xffff;
	[tilespmem:s0+$0x30] =	vst v6  }
0x203: {  	s9 =	sadd.s32 $0x80, s9;
	v5 =	vld.idx.msk [tilespmem:v7+s4+$0x0], $0xffff;
	[tilespmem:s0+$0xFFFFFFD0] =	vst v8  }
0x204: {  	[tilespmem:s0+$0xFFFFFFE0] =	vst v4  }
0x205: {  	[tilespmem:s0+$0xFFFFFFF0] =	vst v3  }
0x206: {  	[tilespmem:s0+$0x0] =	vst v0  }
0x207: {  	[tilespmem:s0+$0x10] =	vst v1  }
0x208: {  	[tilespmem:s0+$0x20] =	vst v2  }
0x209: {  	[tilespmem:s0+$0xFFFFFFC0] =	vst v5  }
0x20a: {  	[hbm4b:s7+s20] =	stream.strided.scatter [tilespmem:s25], [sflag:$0x2], $0x1000, s21, s20, $0x38;
	[tilespmem:$0x1E700] =	vst v63  }
0x20b: {  	_ =	swait.ge [sflag:s29], $0x1000  }
0x20c: {  	[sflag:s29] =	ssyncset.done $0x0  }
0x20d: {  	s9 =	simm.s32 $0x1B770;
	[sflag:s29] =	ssyncadd.s32 $0xFFFFF000  }
0x20e: {  	v0 =	vld [tilespmem:s9+$0x0]  }
0x20f: {  	v1 =	vld [tilespmem:s9+$0xFFFFFFA0]  }
0x210: {  	v2 =	vld [tilespmem:s9+$0xFFFFFFB0]  }
0x211: {  	v3 =	vld [tilespmem:s9+$0xFFFFFFC0]  }
0x212: {  	v5 =	vld [tilespmem:s9+$0xFFFFFFD0]  }
0x213: {  	v6 =	vld [tilespmem:s9+$0xFFFFFFE0]  }
0x214: {  	v7 =	vld [tilespmem:s9+$0xFFFFFFF0]  }
0x215: {  	v8 =	vld [tilespmem:s9+$0xFFFFFF90]  }
0x216: {  	v9 =	vld.idx.msk [tilespmem:v0+s4+$0x0], $0xffff  }
0x217: {  	v10 =	vld.idx.msk [tilespmem:v1+s4+$0x0], $0xffff  }
0x218: {  	v4 =	vld.idx.msk [tilespmem:v2+s4+$0x0], $0xffff  }
0x219: {  	v3 =	vld.idx.msk [tilespmem:v3+s4+$0x0], $0xffff  }
0x21a: {  	v0 =	vld.idx.msk [tilespmem:v5+s4+$0x0], $0xffff  }
0x21b: {  	s0 =	simm.s32 $0x1D740;
	v1 =	vld.idx.msk [tilespmem:v6+s4+$0x0], $0xffff  }
0x21c: {  	v2 =	vld.idx.msk [tilespmem:v7+s4+$0x0], $0xffff;
	[tilespmem:s0+$0x30] =	vst v9  }
0x21d: {  	s2 =	sadd.s32 s2, s15;
	s8 =	simm.s32 $0x1B7F0;
	s7 =	simm.s32 $0x0;
	v5 =	vld.idx.msk [tilespmem:v8+s4+$0x0], $0xffff;
	[tilespmem:s0+$0xFFFFFFD0] =	vst v10  }
.LBB2_27:
0x21e: {  	v6 =	vld [tilespmem:s8+$0x0];
	s7 =	sadd.s32 $0x8, s7;
	[tilespmem:s0+$0xFFFFFFE0] =	vst v4  }
0x21f: {  	v4 =	vld [tilespmem:s8+$0xFFFFFFA0];
	p2 =	slt.u32 s7, $0xF8;
	[tilespmem:s0+$0xFFFFFFF0] =	vst v3  }
0x220: {  	v3 =	vld [tilespmem:s8+$0xFFFFFFB0];
	[tilespmem:s0+$0x0] =	vst v0  }
0x221: {  	v0 =	vld [tilespmem:s8+$0xFFFFFFC0];
	[tilespmem:s0+$0x10] =	vst v1  }
0x222: {  	v1 =	vld [tilespmem:s8+$0xFFFFFFD0];
	[tilespmem:s0+$0x20] =	vst v2  }
0x223: {  	v2 =	vld [tilespmem:s8+$0xFFFFFFE0];
	[tilespmem:s0+$0xFFFFFFC0] =	vst v5  }
0x224: {  	v5 =	vld [tilespmem:s8+$0xFFFFFFF0]  }
0x225: {  	v7 =	vld [tilespmem:s8+$0xFFFFFF90]  }
0x226: {  	v6 =	vld.idx.msk [tilespmem:v6+s4+$0x0], $0xffff  }
0x227: {  	v8 =	vld.idx.msk [tilespmem:v4+s4+$0x0], $0xffff  }
0x228: {  	v4 =	vld.idx.msk [tilespmem:v3+s4+$0x0], $0xffff  }
.Ltmp16:
0x229: {  	v3 =	vld.idx.msk [tilespmem:v0+s4+$0x0], $0xffff;
	(pc) =	sbr.rel @p2 .LBB2_27-.Ltmp16, $4  }
0x22a: {  	v0 =	vld.idx.msk [tilespmem:v1+s4+$0x0], $0xffff  }
0x22b: {  	s0 =	sadd.s32 $0x80, s0;
	v1 =	vld.idx.msk [tilespmem:v2+s4+$0x0], $0xffff  }
0x22c: {  	v2 =	vld.idx.msk [tilespmem:v5+s4+$0x0], $0xffff;
	[tilespmem:s0+$0x30] =	vst v6  }
0x22d: {  	s8 =	sadd.s32 $0x80, s8;
	v5 =	vld.idx.msk [tilespmem:v7+s4+$0x0], $0xffff;
	[tilespmem:s0+$0xFFFFFFD0] =	vst v8  }
0x22e: {  	[tilespmem:s0+$0xFFFFFFE0] =	vst v4  }
0x22f: {  	[tilespmem:s0+$0xFFFFFFF0] =	vst v3  }
0x230: {  	[tilespmem:s0+$0x0] =	vst v0  }
0x231: {  	[tilespmem:s0+$0x10] =	vst v1  }
0x232: {  	s31 =	sadd.s32 $0x1, s31;
	[tilespmem:s0+$0x20] =	vst v2  }
0x233: {  	p2 =	slt.s32 s31, $0x33F;
	[tilespmem:s0+$0xFFFFFFC0] =	vst v5;
	s0 =	smov.u32 s31  }
0x234: {  	[hbm4b:s2+s20] =	stream.strided.scatter [tilespmem:s26], [sflag:$0x3], $0x1000, s21, s20, $0x38;
	[tilespmem:$0x1E700] =	vst v63  }
0x235: {  	s0 =	simm.s32 @!p2 $0x33F  }
0x236: {  	s9 =	sshrl.u32 s0, $0x3  }
0x237: {  	p2 =	slt.u32 s31, s5;
	s0 =	sshll.u32 s0, $0x7;
	s2 =	smul.u32 $0xC3800, s9  }
.Ltmp17:
0x238: {  	s0 =	sand.u32 $0x380, s0;
	(pc) =	sbr.rel @p2 .LBB2_20-.Ltmp17, $4  }
.Ltmp18:
0x239: {  	s0 =	sor.u32 s0, s2;
	(pc) =	sbr.rel @!p2 .LBB2_29-.Ltmp18, $4  }
0x23a: {  	s0 =	sshrl.u32 s0, $0x3  }
0x23b: {  	s0 =	sadd.s32 s1, s0  }
0x23c: {  	[tilespmem:s4], [sflag:$0x1] =	stream.strided.gather [hbm4b:s0+s20], $0x18700, s21, s20, $0x38;
	[tilespmem:$0x1E700] =	vst v63  }
0x23d: {  	_ = 	snop  }
.LBB2_30:
0x23e: {  	_ =	sfence.sel $0x180000  }
0x23f: {  	[bflag:$0x0] =	sbarrier.arrive $0xFFFF  }
0x240: {  	_ =	strace $0x90000047  }
0x241: {  	s0 =	stileid.u32;
	[bflag:$0x2] =	sbarrier.arrive $0xFFFF  }
0x242: {  	p0 =	sne.s32 s0, $0x0;
	s0 =	rddreg [dreg:$0x3]  }
0x243: {  	s0 =	sadd.s32 @!p0 $0x100000, s0  }
0x244: {  	[sflag:s0] =	ssyncadd.tile.s32 @!p0 $0x1;
	_ =	shalt  }
.Lfunc_end2:
_tile_overlayer_lowered:
.L_overlay_start_2:
0x245: {  	(tag) =	ssettag $0x2  }
0x246: {  	s0 =	rddreg [dreg:$0x0];
	s2 =	stileid.u32  }
0x247: {  	s1 =	rddreg [dreg:$0x1];
	p0 =	sne.s32 s2, $0x0  }
0x248: {  	s3 =	rddreg [dreg:$0x2];
	[bflag:$0x3] =	sbarrier.arrive $0xFFFF;
	s2 =	simm.s32 @!p0 $0x1C04  }
0x249: {  	[timem:s3], [sflag:s2] =	dma.local @!p0 [hbm:s0], s1  }
0x24a: {  	s0 =	simm.s32 @!p0 $0x4  }
0x24b: {  	_ =	swait.ge @!p0 [sflag:s0], s1  }
0x24c: {  	s1 =	ssub.s32 @!p0 $0x0, s1;
	[sflag:s0] =	ssyncset.done @!p0 $0x0  }
0x24d: {  	[sflag:s0] =	ssyncadd.s32 @!p0 s1  }
0x24e: {  	[bflag:$0x3] =	sbarrier.arrive $0xFFFF  }
0x24f: {  	_ =	shalt  }

</sc_bundles>
